<compile_context>
chip_gen: v7x
topology: tpu7x:2x2x1
jax: 0.10.2.dev20260603
libtpu: 0.0.44.dev20260713+nightly
codegen_flags: <defaults>
</compile_context>

<pallas_src>
import functools

import jax
import jax.numpy as jnp
from jax import lax
from jax.experimental import pallas as pl
from jax.experimental.pallas import tpu as pltpu
from jax.experimental.pallas import tpu_sc as plsc

_E = 16
_K = 2
_LANES = 16
_NC = 2
_NS = 16


def _tc_matmul_body(hs_ref, gate_ref, logits_ref):
    x = hs_ref[...]
    g = gate_ref[...]
    logits_ref[...] = lax.dot_general(
        g, x, (((1,), (1,)), ((), ())),
        preferred_element_type=jnp.float32,
        precision=lax.Precision.DEFAULT,
    )


def _sc_zeros_body(final_hbm, zbuf_v, sem):
    t, d = final_hbm.shape
    rows_w = t // (_NC * _NS)
    zrows = zbuf_v.shape[0]
    wid = lax.axis_index("s") * _NC + lax.axis_index("c")
    base = wid * rows_w

    zvec = jnp.zeros((_LANES,), jnp.float32)

    def zstore(i, _):
        for r in range(zrows):
            zbuf_v[r, pl.ds(i * _LANES, _LANES)] = zvec
        return 0

    lax.fori_loop(0, d // _LANES, zstore, 0)

    copies = [
        pltpu.make_async_copy(
            zbuf_v, final_hbm.at[pl.ds(base + j * zrows, zrows), :], sem)
        for j in range(rows_w // zrows)
    ]
    for cp in copies:
        cp.start()
    for cp in copies:
        cp.wait()


def _sc_zeros(t, d):
    zrows = 16
    return pl.kernel(
        _sc_zeros_body,
        out_type=jax.ShapeDtypeStruct((t, d), jnp.float32),
        mesh=plsc.VectorSubcoreMesh(core_axis_name="c", subcore_axis_name="s"),
        scratch_types=[
            pltpu.VMEM((zrows, d), jnp.float32),
            pltpu.SemaphoreType.DMA,
        ],
    )()


def _sc_route_body(logits_hbm, mask_hbm, logits_v, mask_v):
    t = logits_hbm.shape[1]
    chunk = t // (_NC * _NS)
    wid = lax.axis_index("s") * _NC + lax.axis_index("c")
    base = wid * chunk
    pltpu.sync_copy(logits_hbm.at[:, pl.ds(base, chunk)], logits_v)

    def group(gi, _):
        sl = pl.ds(gi * _LANES, _LANES)
        m1 = logits_v[0, sl]
        i1 = jnp.zeros((_LANES,), jnp.int32)
        for e in range(1, _E):
            v = logits_v[e, sl]
            c = v > m1
            m1 = jnp.where(c, v, m1)
            i1 = jnp.where(c, jnp.full((_LANES,), e, jnp.int32), i1)
        m2 = jnp.full((_LANES,), -jnp.inf, jnp.float32)
        i2 = jnp.zeros((_LANES,), jnp.int32)
        for e in range(_E):
            v = logits_v[e, sl]
            c = jnp.logical_and(v > m2, i1 != e)
            m2 = jnp.where(c, v, m2)
            i2 = jnp.where(c, jnp.full((_LANES,), e, jnp.int32), i2)
        one = jnp.ones((_LANES,), jnp.int32)
        zero = jnp.zeros((_LANES,), jnp.int32)
        for e in range(_E):
            mask_v[e, 0, sl] = jnp.where(i1 == e, one, zero)
            mask_v[e, 1, sl] = jnp.where(i2 == e, one, zero)
        return 0

    lax.fori_loop(0, chunk // _LANES, group, 0)
    pltpu.sync_copy(mask_v, mask_hbm.at[:, :, pl.ds(base, chunk)])


def _sc_route(logits_t):
    t = logits_t.shape[1]
    chunk = t // (_NC * _NS)
    return pl.kernel(
        _sc_route_body,
        out_type=jax.ShapeDtypeStruct((_E, _K, t), jnp.int32),
        mesh=plsc.VectorSubcoreMesh(core_axis_name="c", subcore_axis_name="s"),
        scratch_types=[
            pltpu.VMEM((_E, chunk), jnp.float32),
            pltpu.VMEM((_E, _K, chunk), jnp.int32),
        ],
    )(logits_t)


def kernel(hidden_states, gate_w):
    batch, seq, d = hidden_states.shape
    t = batch * seq
    hs = hidden_states.reshape(t, d)
    final = _sc_zeros(t, d)
    bt = 512
    grid = t // bt
    logits_t = pl.pallas_call(
        _tc_matmul_body,
        grid=(grid,),
        in_specs=[
            pl.BlockSpec((bt, d), lambda i: (i, 0)),
            pl.BlockSpec((_E, d), lambda i: (0, 0)),
        ],
        out_specs=pl.BlockSpec((_E, bt), lambda i: (0, i)),
        out_shape=jax.ShapeDtypeStruct((_E, t), jnp.float32),
    )(hs, gate_w)
    mask = _sc_route(logits_t)
    return final, mask

# --- scband reference (transcript-rebuilt; emitter-appended) ---
"""Pipeline reference for scband-sync-arctic-moe-block-61881888801316 (READ-ONLY COPY).

The authoritative reference and input builder live on the scoring server;
editing this copy changes nothing except your own understanding.
"""

import jax, jax.numpy as jnp
import numpy as np

B, S, D = 2, 4096, 4096
E, TOP_K = 16, 2


def setup_inputs(seed: int = 0) -> dict:
    key = jax.random.key(seed)
    k1, k2 = jax.random.split(key)
    hidden_states = jax.random.normal(k1, (B, S, D), dtype=jnp.float32)
    gate_w = jax.random.normal(k2, (E, D), dtype=jnp.float32) * 0.02
    return {"hidden_states": hidden_states, "gate_w": gate_w}


def reference(hidden_states, gate_w):
    batch_size, sequence_length, hidden_dim = hidden_states.shape
    hs = hidden_states.reshape(-1, hidden_dim)
    # gate: linear without bias
    router_logits = hs @ gate_w.T
    routing_weights = jax.nn.softmax(router_logits.astype(jnp.float32), axis=1)
    routing_weights_topk, selected_experts = jax.lax.top_k(routing_weights, TOP_K)
    routing_weights_topk = routing_weights_topk.astype(hidden_states.dtype)
    # (prefetch bookkeeping in the original uses external engine state; no tensor math)
    final_hidden_states = jnp.zeros((batch_size * sequence_length, hidden_dim), dtype=hidden_states.dtype)
    # one_hot over [T, top_k] -> [T, top_k, E], permute(2,1,0) -> [E, top_k, T]
    expert_mask = jax.nn.one_hot(selected_experts, E, dtype=jnp.int32).transpose(2, 1, 0)
    return final_hidden_states, expert_mask

if __name__ == "__main__":
    import jax
    _d = setup_inputs()
    print(jax.jit(kernel)(*tuple(_d.values())))

</pallas_src>

<mosaic_0001>
#map = affine_map<(d0, d1) -> (0, 0)>
module attributes {stable_mosaic.version = 14 : i64} {
  func.func @_sc_zeros_body(%arg0: i32, %arg1: i32, %arg2: memref<8192x4096xf32, #tpu.memory_space<hbm>>, %arg3: memref<16x4096xf32, #tpu.memory_space<vmem>>, %arg4: memref<!tpu.dma_semaphore, #tpu.memory_space<semaphore_mem>>) attributes {dimension_semantics = [#tpu.dimension_semantics<core_parallel>, #tpu.dimension_semantics<subcore_parallel>], iteration_bounds = array<i64: 2, 16>, scalar_prefetch = 0 : i64, scratch_operands = 2 : i64, tpu.core_type = #tpu.core_type<sc_vector_subcore>, window_params = [{transform_indices = #map}]} {
    %mul3A = arith.constant 2 : i32
    %mul3A_0 = arith.muli %arg1, %mul3A : i32
    %add3A = arith.addi %mul3A_0, %arg0 : i32
    %mul3A_1 = arith.constant 256 : i32
    %mul3A_2 = arith.muli %add3A, %mul3A_1 : i32
    %broadcast_in_dim3A = arith.constant 0.000000e+00 : f32
    %broadcast_in_dim3A_3 = vector.broadcast %broadcast_in_dim3A : f32 to vector<16xf32>
    %scan3A = arith.constant 0 : i32
    %scan3A_4 = arith.constant 0 : i32
    %scan3A_5 = arith.constant 256 : i32
    %scan3A_6 = arith.addi %scan3A_4, %scan3A_5 : i32
    %scan3A_7 = arith.constant 1 : i32
    %scan3A_8 = scf.for %scan3A_168 = %scan3A_4 to %scan3A_6 step %scan3A_7 iter_args(%scan3A_169 = %scan3A) -> (i32)  : i32 {
      %mul3A_170 = arith.constant 16 : i32
      %mul3A_171 = arith.muli %scan3A_168, %mul3A_170 : i32
      %swap3A = arith.constant 0 : i32
      %swap3A_172 = arith.index_cast %swap3A : i32 to index
      %swap3A_173 = arith.index_cast %mul3A_171 : i32 to index
      %swap3A_174 = tpu.vector_load %arg3[%swap3A_172, %swap3A_173] {strides = array<i32>} : memref<16x4096xf32, #tpu.memory_space<vmem>>, vector<1x16xf32>,
      %swap3A_175 = vector.shape_cast %swap3A_174 : vector<1x16xf32> to vector<16xf32>
      %swap3A_176 = vector.shape_cast %broadcast_in_dim3A_3 : vector<16xf32> to vector<1x16xf32>
      tpu.vector_store %arg3[%swap3A_172, %swap3A_173], %swap3A_176 {strides = array<i32>} : memref<16x4096xf32, #tpu.memory_space<vmem>>, vector<1x16xf32>,
      %mul3A_177 = arith.constant 16 : i32
      %mul3A_178 = arith.muli %scan3A_168, %mul3A_177 : i32
      %swap3A_179 = arith.constant 1 : i32
      %swap3A_180 = arith.index_cast %swap3A_179 : i32 to index
      %swap3A_181 = arith.index_cast %mul3A_178 : i32 to index
      %swap3A_182 = tpu.vector_load %arg3[%swap3A_180, %swap3A_181] {strides = array<i32>} : memref<16x4096xf32, #tpu.memory_space<vmem>>, vector<1x16xf32>,
      %swap3A_183 = vector.shape_cast %swap3A_182 : vector<1x16xf32> to vector<16xf32>
      %swap3A_184 = vector.shape_cast %broadcast_in_dim3A_3 : vector<16xf32> to vector<1x16xf32>
      tpu.vector_store %arg3[%swap3A_180, %swap3A_181], %swap3A_184 {strides = array<i32>} : memref<16x4096xf32, #tpu.memory_space<vmem>>, vector<1x16xf32>,
      %mul3A_185 = arith.constant 16 : i32
      %mul3A_186 = arith.muli %scan3A_168, %mul3A_185 : i32
      %swap3A_187 = arith.constant 2 : i32
      %swap3A_188 = arith.index_cast %swap3A_187 : i32 to index
      %swap3A_189 = arith.index_cast %mul3A_186 : i32 to index
      %swap3A_190 = tpu.vector_load %arg3[%swap3A_188, %swap3A_189] {strides = array<i32>} : memref<16x4096xf32, #tpu.memory_space<vmem>>, vector<1x16xf32>,
      %swap3A_191 = vector.shape_cast %swap3A_190 : vector<1x16xf32> to vector<16xf32>
      %swap3A_192 = vector.shape_cast %broadcast_in_dim3A_3 : vector<16xf32> to vector<1x16xf32>
      tpu.vector_store %arg3[%swap3A_188, %swap3A_189], %swap3A_192 {strides = array<i32>} : memref<16x4096xf32, #tpu.memory_space<vmem>>, vector<1x16xf32>,
      %mul3A_193 = arith.constant 16 : i32
      %mul3A_194 = arith.muli %scan3A_168, %mul3A_193 : i32
      %swap3A_195 = arith.constant 3 : i32
      %swap3A_196 = arith.index_cast %swap3A_195 : i32 to index
      %swap3A_197 = arith.index_cast %mul3A_194 : i32 to index
      %swap3A_198 = tpu.vector_load %arg3[%swap3A_196, %swap3A_197] {strides = array<i32>} : memref<16x4096xf32, #tpu.memory_space<vmem>>, vector<1x16xf32>,
      %swap3A_199 = vector.shape_cast %swap3A_198 : vector<1x16xf32> to vector<16xf32>
      %swap3A_200 = vector.shape_cast %broadcast_in_dim3A_3 : vector<16xf32> to vector<1x16xf32>
      tpu.vector_store %arg3[%swap3A_196, %swap3A_197], %swap3A_200 {strides = array<i32>} : memref<16x4096xf32, #tpu.memory_space<vmem>>, vector<1x16xf32>,
      %mul3A_201 = arith.constant 16 : i32
      %mul3A_202 = arith.muli %scan3A_168, %mul3A_201 : i32
      %swap3A_203 = arith.constant 4 : i32
      %swap3A_204 = arith.index_cast %swap3A_203 : i32 to index
      %swap3A_205 = arith.index_cast %mul3A_202 : i32 to index
      %swap3A_206 = tpu.vector_load %arg3[%swap3A_204, %swap3A_205] {strides = array<i32>} : memref<16x4096xf32, #tpu.memory_space<vmem>>, vector<1x16xf32>,
      %swap3A_207 = vector.shape_cast %swap3A_206 : vector<1x16xf32> to vector<16xf32>
      %swap3A_208 = vector.shape_cast %broadcast_in_dim3A_3 : vector<16xf32> to vector<1x16xf32>
      tpu.vector_store %arg3[%swap3A_204, %swap3A_205], %swap3A_208 {strides = array<i32>} : memref<16x4096xf32, #tpu.memory_space<vmem>>, vector<1x16xf32>,
      %mul3A_209 = arith.constant 16 : i32
      %mul3A_210 = arith.muli %scan3A_168, %mul3A_209 : i32
      %swap3A_211 = arith.constant 5 : i32
      %swap3A_212 = arith.index_cast %swap3A_211 : i32 to index
      %swap3A_213 = arith.index_cast %mul3A_210 : i32 to index
      %swap3A_214 = tpu.vector_load %arg3[%swap3A_212, %swap3A_213] {strides = array<i32>} : memref<16x4096xf32, #tpu.memory_space<vmem>>, vector<1x16xf32>,
      %swap3A_215 = vector.shape_cast %swap3A_214 : vector<1x16xf32> to vector<16xf32>
      %swap3A_216 = vector.shape_cast %broadcast_in_dim3A_3 : vector<16xf32> to vector<1x16xf32>
      tpu.vector_store %arg3[%swap3A_212, %swap3A_213], %swap3A_216 {strides = array<i32>} : memref<16x4096xf32, #tpu.memory_space<vmem>>, vector<1x16xf32>,
      %mul3A_217 = arith.constant 16 : i32
      %mul3A_218 = arith.muli %scan3A_168, %mul3A_217 : i32
      %swap3A_219 = arith.constant 6 : i32
      %swap3A_220 = arith.index_cast %swap3A_219 : i32 to index
      %swap3A_221 = arith.index_cast %mul3A_218 : i32 to index
      %swap3A_222 = tpu.vector_load %arg3[%swap3A_220, %swap3A_221] {strides = array<i32>} : memref<16x4096xf32, #tpu.memory_space<vmem>>, vector<1x16xf32>,
      %swap3A_223 = vector.shape_cast %swap3A_222 : vector<1x16xf32> to vector<16xf32>
      %swap3A_224 = vector.shape_cast %broadcast_in_dim3A_3 : vector<16xf32> to vector<1x16xf32>
      tpu.vector_store %arg3[%swap3A_220, %swap3A_221], %swap3A_224 {strides = array<i32>} : memref<16x4096xf32, #tpu.memory_space<vmem>>, vector<1x16xf32>,
      %mul3A_225 = arith.constant 16 : i32
      %mul3A_226 = arith.muli %scan3A_168, %mul3A_225 : i32
      %swap3A_227 = arith.constant 7 : i32
      %swap3A_228 = arith.index_cast %swap3A_227 : i32 to index
      %swap3A_229 = arith.index_cast %mul3A_226 : i32 to index
      %swap3A_230 = tpu.vector_load %arg3[%swap3A_228, %swap3A_229] {strides = array<i32>} : memref<16x4096xf32, #tpu.memory_space<vmem>>, vector<1x16xf32>,
      %swap3A_231 = vector.shape_cast %swap3A_230 : vector<1x16xf32> to vector<16xf32>
      %swap3A_232 = vector.shape_cast %broadcast_in_dim3A_3 : vector<16xf32> to vector<1x16xf32>
      tpu.vector_store %arg3[%swap3A_228, %swap3A_229], %swap3A_232 {strides = array<i32>} : memref<16x4096xf32, #tpu.memory_space<vmem>>, vector<1x16xf32>,
      %mul3A_233 = arith.constant 16 : i32
      %mul3A_234 = arith.muli %scan3A_168, %mul3A_233 : i32
      %swap3A_235 = arith.constant 8 : i32
      %swap3A_236 = arith.index_cast %swap3A_235 : i32 to index
      %swap3A_237 = arith.index_cast %mul3A_234 : i32 to index
      %swap3A_238 = tpu.vector_load %arg3[%swap3A_236, %swap3A_237] {strides = array<i32>} : memref<16x4096xf32, #tpu.memory_space<vmem>>, vector<1x16xf32>,
      %swap3A_239 = vector.shape_cast %swap3A_238 : vector<1x16xf32> to vector<16xf32>
      %swap3A_240 = vector.shape_cast %broadcast_in_dim3A_3 : vector<16xf32> to vector<1x16xf32>
      tpu.vector_store %arg3[%swap3A_236, %swap3A_237], %swap3A_240 {strides = array<i32>} : memref<16x4096xf32, #tpu.memory_space<vmem>>, vector<1x16xf32>,
      %mul3A_241 = arith.constant 16 : i32
      %mul3A_242 = arith.muli %scan3A_168, %mul3A_241 : i32
      %swap3A_243 = arith.constant 9 : i32
      %swap3A_244 = arith.index_cast %swap3A_243 : i32 to index
      %swap3A_245 = arith.index_cast %mul3A_242 : i32 to index
      %swap3A_246 = tpu.vector_load %arg3[%swap3A_244, %swap3A_245] {strides = array<i32>} : memref<16x4096xf32, #tpu.memory_space<vmem>>, vector<1x16xf32>,
      %swap3A_247 = vector.shape_cast %swap3A_246 : vector<1x16xf32> to vector<16xf32>
      %swap3A_248 = vector.shape_cast %broadcast_in_dim3A_3 : vector<16xf32> to vector<1x16xf32>
      tpu.vector_store %arg3[%swap3A_244, %swap3A_245], %swap3A_248 {strides = array<i32>} : memref<16x4096xf32, #tpu.memory_space<vmem>>, vector<1x16xf32>,
      %mul3A_249 = arith.constant 16 : i32
      %mul3A_250 = arith.muli %scan3A_168, %mul3A_249 : i32
      %swap3A_251 = arith.constant 10 : i32
      %swap3A_252 = arith.index_cast %swap3A_251 : i32 to index
      %swap3A_253 = arith.index_cast %mul3A_250 : i32 to index
      %swap3A_254 = tpu.vector_load %arg3[%swap3A_252, %swap3A_253] {strides = array<i32>} : memref<16x4096xf32, #tpu.memory_space<vmem>>, vector<1x16xf32>,
      %swap3A_255 = vector.shape_cast %swap3A_254 : vector<1x16xf32> to vector<16xf32>
      %swap3A_256 = vector.shape_cast %broadcast_in_dim3A_3 : vector<16xf32> to vector<1x16xf32>
      tpu.vector_store %arg3[%swap3A_252, %swap3A_253], %swap3A_256 {strides = array<i32>} : memref<16x4096xf32, #tpu.memory_space<vmem>>, vector<1x16xf32>,
      %mul3A_257 = arith.constant 16 : i32
      %mul3A_258 = arith.muli %scan3A_168, %mul3A_257 : i32
      %swap3A_259 = arith.constant 11 : i32
      %swap3A_260 = arith.index_cast %swap3A_259 : i32 to index
      %swap3A_261 = arith.index_cast %mul3A_258 : i32 to index
      %swap3A_262 = tpu.vector_load %arg3[%swap3A_260, %swap3A_261] {strides = array<i32>} : memref<16x4096xf32, #tpu.memory_space<vmem>>, vector<1x16xf32>,
      %swap3A_263 = vector.shape_cast %swap3A_262 : vector<1x16xf32> to vector<16xf32>
      %swap3A_264 = vector.shape_cast %broadcast_in_dim3A_3 : vector<16xf32> to vector<1x16xf32>
      tpu.vector_store %arg3[%swap3A_260, %swap3A_261], %swap3A_264 {strides = array<i32>} : memref<16x4096xf32, #tpu.memory_space<vmem>>, vector<1x16xf32>,
      %mul3A_265 = arith.constant 16 : i32
      %mul3A_266 = arith.muli %scan3A_168, %mul3A_265 : i32
      %swap3A_267 = arith.constant 12 : i32
      %swap3A_268 = arith.index_cast %swap3A_267 : i32 to index
      %swap3A_269 = arith.index_cast %mul3A_266 : i32 to index
      %swap3A_270 = tpu.vector_load %arg3[%swap3A_268, %swap3A_269] {strides = array<i32>} : memref<16x4096xf32, #tpu.memory_space<vmem>>, vector<1x16xf32>,
      %swap3A_271 = vector.shape_cast %swap3A_270 : vector<1x16xf32> to vector<16xf32>
      %swap3A_272 = vector.shape_cast %broadcast_in_dim3A_3 : vector<16xf32> to vector<1x16xf32>
      tpu.vector_store %arg3[%swap3A_268, %swap3A_269], %swap3A_272 {strides = array<i32>} : memref<16x4096xf32, #tpu.memory_space<vmem>>, vector<1x16xf32>,
      %mul3A_273 = arith.constant 16 : i32
      %mul3A_274 = arith.muli %scan3A_168, %mul3A_273 : i32
      %swap3A_275 = arith.constant 13 : i32
      %swap3A_276 = arith.index_cast %swap3A_275 : i32 to index
      %swap3A_277 = arith.index_cast %mul3A_274 : i32 to index
      %swap3A_278 = tpu.vector_load %arg3[%swap3A_276, %swap3A_277] {strides = array<i32>} : memref<16x4096xf32, #tpu.memory_space<vmem>>, vector<1x16xf32>,
      %swap3A_279 = vector.shape_cast %swap3A_278 : vector<1x16xf32> to vector<16xf32>
      %swap3A_280 = vector.shape_cast %broadcast_in_dim3A_3 : vector<16xf32> to vector<1x16xf32>
      tpu.vector_store %arg3[%swap3A_276, %swap3A_277], %swap3A_280 {strides = array<i32>} : memref<16x4096xf32, #tpu.memory_space<vmem>>, vector<1x16xf32>,
      %mul3A_281 = arith.constant 16 : i32
      %mul3A_282 = arith.muli %scan3A_168, %mul3A_281 : i32
      %swap3A_283 = arith.constant 14 : i32
      %swap3A_284 = arith.index_cast %swap3A_283 : i32 to index
      %swap3A_285 = arith.index_cast %mul3A_282 : i32 to index
      %swap3A_286 = tpu.vector_load %arg3[%swap3A_284, %swap3A_285] {strides = array<i32>} : memref<16x4096xf32, #tpu.memory_space<vmem>>, vector<1x16xf32>,
      %swap3A_287 = vector.shape_cast %swap3A_286 : vector<1x16xf32> to vector<16xf32>
      %swap3A_288 = vector.shape_cast %broadcast_in_dim3A_3 : vector<16xf32> to vector<1x16xf32>
      tpu.vector_store %arg3[%swap3A_284, %swap3A_285], %swap3A_288 {strides = array<i32>} : memref<16x4096xf32, #tpu.memory_space<vmem>>, vector<1x16xf32>,
      %mul3A_289 = arith.constant 16 : i32
      %mul3A_290 = arith.muli %scan3A_168, %mul3A_289 : i32
      %swap3A_291 = arith.constant 15 : i32
      %swap3A_292 = arith.index_cast %swap3A_291 : i32 to index
      %swap3A_293 = arith.index_cast %mul3A_290 : i32 to index
      %swap3A_294 = tpu.vector_load %arg3[%swap3A_292, %swap3A_293] {strides = array<i32>} : memref<16x4096xf32, #tpu.memory_space<vmem>>, vector<1x16xf32>,
      %swap3A_295 = vector.shape_cast %swap3A_294 : vector<1x16xf32> to vector<16xf32>
      %swap3A_296 = vector.shape_cast %broadcast_in_dim3A_3 : vector<16xf32> to vector<1x16xf32>
      tpu.vector_store %arg3[%swap3A_292, %swap3A_293], %swap3A_296 {strides = array<i32>} : memref<16x4096xf32, #tpu.memory_space<vmem>>, vector<1x16xf32>,
      %scan3A_297 = arith.constant 0 : i32
      scf.yield %scan3A_297 : i32
    }
    %scan3A_9 = arith.constant 256 : i32
    %add3A_10 = arith.constant 0 : i32
    %add3A_11 = arith.addi %mul3A_2, %add3A_10 : i32
    %add3A_12 = arith.constant 16 : i32
    %add3A_13 = arith.addi %mul3A_2, %add3A_12 : i32
    %add3A_14 = arith.constant 32 : i32
    %add3A_15 = arith.addi %mul3A_2, %add3A_14 : i32
    %add3A_16 = arith.constant 48 : i32
    %add3A_17 = arith.addi %mul3A_2, %add3A_16 : i32
    %add3A_18 = arith.constant 64 : i32
    %add3A_19 = arith.addi %mul3A_2, %add3A_18 : i32
    %add3A_20 = arith.constant 80 : i32
    %add3A_21 = arith.addi %mul3A_2, %add3A_20 : i32
    %add3A_22 = arith.constant 96 : i32
    %add3A_23 = arith.addi %mul3A_2, %add3A_22 : i32
    %add3A_24 = arith.constant 112 : i32
    %add3A_25 = arith.addi %mul3A_2, %add3A_24 : i32
    %add3A_26 = arith.constant 128 : i32
    %add3A_27 = arith.addi %mul3A_2, %add3A_26 : i32
    %add3A_28 = arith.constant 144 : i32
    %add3A_29 = arith.addi %mul3A_2, %add3A_28 : i32
    %add3A_30 = arith.constant 160 : i32
    %add3A_31 = arith.addi %mul3A_2, %add3A_30 : i32
    %add3A_32 = arith.constant 176 : i32
    %add3A_33 = arith.addi %mul3A_2, %add3A_32 : i32
    %add3A_34 = arith.constant 192 : i32
    %add3A_35 = arith.addi %mul3A_2, %add3A_34 : i32
    %add3A_36 = arith.constant 208 : i32
    %add3A_37 = arith.addi %mul3A_2, %add3A_36 : i32
    %add3A_38 = arith.constant 224 : i32
    %add3A_39 = arith.addi %mul3A_2, %add3A_38 : i32
    %add3A_40 = arith.constant 240 : i32
    %add3A_41 = arith.addi %mul3A_2, %add3A_40 : i32
    %dma_start3A = arith.constant 0 : i32
    %dma_start3A_42 = tpu.memref_slice %arg2[%add3A_11, %dma_start3A] : memref<8192x4096xf32, #tpu.memory_space<hbm>> -> memref<16x4096xf32, #tpu.memory_space<hbm>>
    %dma_start3A_43 = arith.constant 0 : i32
    %dma_start3A_44 = tpu.memref_slice %arg2[%add3A_11, %dma_start3A_43] : memref<8192x4096xf32, #tpu.memory_space<hbm>> -> memref<16x4096xf32, #tpu.memory_space<hbm>>
    tpu.enqueue_dma source(%arg3 : memref<16x4096xf32, #tpu.memory_space<vmem>>) target(%dma_start3A_44 : memref<16x4096xf32, #tpu.memory_space<hbm>>) target_semaphore(%arg4 : memref<!tpu.dma_semaphore, #tpu.memory_space<semaphore_mem>>)
    %dma_start3A_45 = arith.constant 0 : i32
    %dma_start3A_46 = tpu.memref_slice %arg2[%add3A_13, %dma_start3A_45] : memref<8192x4096xf32, #tpu.memory_space<hbm>> -> memref<16x4096xf32, #tpu.memory_space<hbm>>
    %dma_start3A_47 = arith.constant 0 : i32
    %dma_start3A_48 = tpu.memref_slice %arg2[%add3A_13, %dma_start3A_47] : memref<8192x4096xf32, #tpu.memory_space<hbm>> -> memref<16x4096xf32, #tpu.memory_space<hbm>>
    tpu.enqueue_dma source(%arg3 : memref<16x4096xf32, #tpu.memory_space<vmem>>) target(%dma_start3A_48 : memref<16x4096xf32, #tpu.memory_space<hbm>>) target_semaphore(%arg4 : memref<!tpu.dma_semaphore, #tpu.memory_space<semaphore_mem>>)
    %dma_start3A_49 = arith.constant 0 : i32
    %dma_start3A_50 = tpu.memref_slice %arg2[%add3A_15, %dma_start3A_49] : memref<8192x4096xf32, #tpu.memory_space<hbm>> -> memref<16x4096xf32, #tpu.memory_space<hbm>>
    %dma_start3A_51 = arith.constant 0 : i32
    %dma_start3A_52 = tpu.memref_slice %arg2[%add3A_15, %dma_start3A_51] : memref<8192x4096xf32, #tpu.memory_space<hbm>> -> memref<16x4096xf32, #tpu.memory_space<hbm>>
    tpu.enqueue_dma source(%arg3 : memref<16x4096xf32, #tpu.memory_space<vmem>>) target(%dma_start3A_52 : memref<16x4096xf32, #tpu.memory_space<hbm>>) target_semaphore(%arg4 : memref<!tpu.dma_semaphore, #tpu.memory_space<semaphore_mem>>)
    %dma_start3A_53 = arith.constant 0 : i32
    %dma_start3A_54 = tpu.memref_slice %arg2[%add3A_17, %dma_start3A_53] : memref<8192x4096xf32, #tpu.memory_space<hbm>> -> memref<16x4096xf32, #tpu.memory_space<hbm>>
    %dma_start3A_55 = arith.constant 0 : i32
    %dma_start3A_56 = tpu.memref_slice %arg2[%add3A_17, %dma_start3A_55] : memref<8192x4096xf32, #tpu.memory_space<hbm>> -> memref<16x4096xf32, #tpu.memory_space<hbm>>
    tpu.enqueue_dma source(%arg3 : memref<16x4096xf32, #tpu.memory_space<vmem>>) target(%dma_start3A_56 : memref<16x4096xf32, #tpu.memory_space<hbm>>) target_semaphore(%arg4 : memref<!tpu.dma_semaphore, #tpu.memory_space<semaphore_mem>>)
    %dma_start3A_57 = arith.constant 0 : i32
    %dma_start3A_58 = tpu.memref_slice %arg2[%add3A_19, %dma_start3A_57] : memref<8192x4096xf32, #tpu.memory_space<hbm>> -> memref<16x4096xf32, #tpu.memory_space<hbm>>
    %dma_start3A_59 = arith.constant 0 : i32
    %dma_start3A_60 = tpu.memref_slice %arg2[%add3A_19, %dma_start3A_59] : memref<8192x4096xf32, #tpu.memory_space<hbm>> -> memref<16x4096xf32, #tpu.memory_space<hbm>>
    tpu.enqueue_dma source(%arg3 : memref<16x4096xf32, #tpu.memory_space<vmem>>) target(%dma_start3A_60 : memref<16x4096xf32, #tpu.memory_space<hbm>>) target_semaphore(%arg4 : memref<!tpu.dma_semaphore, #tpu.memory_space<semaphore_mem>>)
    %dma_start3A_61 = arith.constant 0 : i32
    %dma_start3A_62 = tpu.memref_slice %arg2[%add3A_21, %dma_start3A_61] : memref<8192x4096xf32, #tpu.memory_space<hbm>> -> memref<16x4096xf32, #tpu.memory_space<hbm>>
    %dma_start3A_63 = arith.constant 0 : i32
    %dma_start3A_64 = tpu.memref_slice %arg2[%add3A_21, %dma_start3A_63] : memref<8192x4096xf32, #tpu.memory_space<hbm>> -> memref<16x4096xf32, #tpu.memory_space<hbm>>
    tpu.enqueue_dma source(%arg3 : memref<16x4096xf32, #tpu.memory_space<vmem>>) target(%dma_start3A_64 : memref<16x4096xf32, #tpu.memory_space<hbm>>) target_semaphore(%arg4 : memref<!tpu.dma_semaphore, #tpu.memory_space<semaphore_mem>>)
    %dma_start3A_65 = arith.constant 0 : i32
    %dma_start3A_66 = tpu.memref_slice %arg2[%add3A_23, %dma_start3A_65] : memref<8192x4096xf32, #tpu.memory_space<hbm>> -> memref<16x4096xf32, #tpu.memory_space<hbm>>
    %dma_start3A_67 = arith.constant 0 : i32
    %dma_start3A_68 = tpu.memref_slice %arg2[%add3A_23, %dma_start3A_67] : memref<8192x4096xf32, #tpu.memory_space<hbm>> -> memref<16x4096xf32, #tpu.memory_space<hbm>>
    tpu.enqueue_dma source(%arg3 : memref<16x4096xf32, #tpu.memory_space<vmem>>) target(%dma_start3A_68 : memref<16x4096xf32, #tpu.memory_space<hbm>>) target_semaphore(%arg4 : memref<!tpu.dma_semaphore, #tpu.memory_space<semaphore_mem>>)
    %dma_start3A_69 = arith.constant 0 : i32
    %dma_start3A_70 = tpu.memref_slice %arg2[%add3A_25, %dma_start3A_69] : memref<8192x4096xf32, #tpu.memory_space<hbm>> -> memref<16x4096xf32, #tpu.memory_space<hbm>>
    %dma_start3A_71 = arith.constant 0 : i32
    %dma_start3A_72 = tpu.memref_slice %arg2[%add3A_25, %dma_start3A_71] : memref<8192x4096xf32, #tpu.memory_space<hbm>> -> memref<16x4096xf32, #tpu.memory_space<hbm>>
    tpu.enqueue_dma source(%arg3 : memref<16x4096xf32, #tpu.memory_space<vmem>>) target(%dma_start3A_72 : memref<16x4096xf32, #tpu.memory_space<hbm>>) target_semaphore(%arg4 : memref<!tpu.dma_semaphore, #tpu.memory_space<semaphore_mem>>)
    %dma_start3A_73 = arith.constant 0 : i32
    %dma_start3A_74 = tpu.memref_slice %arg2[%add3A_27, %dma_start3A_73] : memref<8192x4096xf32, #tpu.memory_space<hbm>> -> memref<16x4096xf32, #tpu.memory_space<hbm>>
    %dma_start3A_75 = arith.constant 0 : i32
    %dma_start3A_76 = tpu.memref_slice %arg2[%add3A_27, %dma_start3A_75] : memref<8192x4096xf32, #tpu.memory_space<hbm>> -> memref<16x4096xf32, #tpu.memory_space<hbm>>
    tpu.enqueue_dma source(%arg3 : memref<16x4096xf32, #tpu.memory_space<vmem>>) target(%dma_start3A_76 : memref<16x4096xf32, #tpu.memory_space<hbm>>) target_semaphore(%arg4 : memref<!tpu.dma_semaphore, #tpu.memory_space<semaphore_mem>>)
    %dma_start3A_77 = arith.constant 0 : i32
    %dma_start3A_78 = tpu.memref_slice %arg2[%add3A_29, %dma_start3A_77] : memref<8192x4096xf32, #tpu.memory_space<hbm>> -> memref<16x4096xf32, #tpu.memory_space<hbm>>
    %dma_start3A_79 = arith.constant 0 : i32
    %dma_start3A_80 = tpu.memref_slice %arg2[%add3A_29, %dma_start3A_79] : memref<8192x4096xf32, #tpu.memory_space<hbm>> -> memref<16x4096xf32, #tpu.memory_space<hbm>>
    tpu.enqueue_dma source(%arg3 : memref<16x4096xf32, #tpu.memory_space<vmem>>) target(%dma_start3A_80 : memref<16x4096xf32, #tpu.memory_space<hbm>>) target_semaphore(%arg4 : memref<!tpu.dma_semaphore, #tpu.memory_space<semaphore_mem>>)
    %dma_start3A_81 = arith.constant 0 : i32
    %dma_start3A_82 = tpu.memref_slice %arg2[%add3A_31, %dma_start3A_81] : memref<8192x4096xf32, #tpu.memory_space<hbm>> -> memref<16x4096xf32, #tpu.memory_space<hbm>>
    %dma_start3A_83 = arith.constant 0 : i32
    %dma_start3A_84 = tpu.memref_slice %arg2[%add3A_31, %dma_start3A_83] : memref<8192x4096xf32, #tpu.memory_space<hbm>> -> memref<16x4096xf32, #tpu.memory_space<hbm>>
    tpu.enqueue_dma source(%arg3 : memref<16x4096xf32, #tpu.memory_space<vmem>>) target(%dma_start3A_84 : memref<16x4096xf32, #tpu.memory_space<hbm>>) target_semaphore(%arg4 : memref<!tpu.dma_semaphore, #tpu.memory_space<semaphore_mem>>)
    %dma_start3A_85 = arith.constant 0 : i32
    %dma_start3A_86 = tpu.memref_slice %arg2[%add3A_33, %dma_start3A_85] : memref<8192x4096xf32, #tpu.memory_space<hbm>> -> memref<16x4096xf32, #tpu.memory_space<hbm>>
    %dma_start3A_87 = arith.constant 0 : i32
    %dma_start3A_88 = tpu.memref_slice %arg2[%add3A_33, %dma_start3A_87] : memref<8192x4096xf32, #tpu.memory_space<hbm>> -> memref<16x4096xf32, #tpu.memory_space<hbm>>
    tpu.enqueue_dma source(%arg3 : memref<16x4096xf32, #tpu.memory_space<vmem>>) target(%dma_start3A_88 : memref<16x4096xf32, #tpu.memory_space<hbm>>) target_semaphore(%arg4 : memref<!tpu.dma_semaphore, #tpu.memory_space<semaphore_mem>>)
    %dma_start3A_89 = arith.constant 0 : i32
    %dma_start3A_90 = tpu.memref_slice %arg2[%add3A_35, %dma_start3A_89] : memref<8192x4096xf32, #tpu.memory_space<hbm>> -> memref<16x4096xf32, #tpu.memory_space<hbm>>
    %dma_start3A_91 = arith.constant 0 : i32
    %dma_start3A_92 = tpu.memref_slice %arg2[%add3A_35, %dma_start3A_91] : memref<8192x4096xf32, #tpu.memory_space<hbm>> -> memref<16x4096xf32, #tpu.memory_space<hbm>>
    tpu.enqueue_dma source(%arg3 : memref<16x4096xf32, #tpu.memory_space<vmem>>) target(%dma_start3A_92 : memref<16x4096xf32, #tpu.memory_space<hbm>>) target_semaphore(%arg4 : memref<!tpu.dma_semaphore, #tpu.memory_space<semaphore_mem>>)
    %dma_start3A_93 = arith.constant 0 : i32
    %dma_start3A_94 = tpu.memref_slice %arg2[%add3A_37, %dma_start3A_93] : memref<8192x4096xf32, #tpu.memory_space<hbm>> -> memref<16x4096xf32, #tpu.memory_space<hbm>>
    %dma_start3A_95 = arith.constant 0 : i32
    %dma_start3A_96 = tpu.memref_slice %arg2[%add3A_37, %dma_start3A_95] : memref<8192x4096xf32, #tpu.memory_space<hbm>> -> memref<16x4096xf32, #tpu.memory_space<hbm>>
    tpu.enqueue_dma source(%arg3 : memref<16x4096xf32, #tpu.memory_space<vmem>>) target(%dma_start3A_96 : memref<16x4096xf32, #tpu.memory_space<hbm>>) target_semaphore(%arg4 : memref<!tpu.dma_semaphore, #tpu.memory_space<semaphore_mem>>)
    %dma_start3A_97 = arith.constant 0 : i32
    %dma_start3A_98 = tpu.memref_slice %arg2[%add3A_39, %dma_start3A_97] : memref<8192x4096xf32, #tpu.memory_space<hbm>> -> memref<16x4096xf32, #tpu.memory_space<hbm>>
    %dma_start3A_99 = arith.constant 0 : i32
    %dma_start3A_100 = tpu.memref_slice %arg2[%add3A_39, %dma_start3A_99] : memref<8192x4096xf32, #tpu.memory_space<hbm>> -> memref<16x4096xf32, #tpu.memory_space<hbm>>
    tpu.enqueue_dma source(%arg3 : memref<16x4096xf32, #tpu.memory_space<vmem>>) target(%dma_start3A_100 : memref<16x4096xf32, #tpu.memory_space<hbm>>) target_semaphore(%arg4 : memref<!tpu.dma_semaphore, #tpu.memory_space<semaphore_mem>>)
    %dma_start3A_101 = arith.constant 0 : i32
    %dma_start3A_102 = tpu.memref_slice %arg2[%add3A_41, %dma_start3A_101] : memref<8192x4096xf32, #tpu.memory_space<hbm>> -> memref<16x4096xf32, #tpu.memory_space<hbm>>
    %dma_start3A_103 = arith.constant 0 : i32
    %dma_start3A_104 = tpu.memref_slice %arg2[%add3A_41, %dma_start3A_103] : memref<8192x4096xf32, #tpu.memory_space<hbm>> -> memref<16x4096xf32, #tpu.memory_space<hbm>>
    tpu.enqueue_dma source(%arg3 : memref<16x4096xf32, #tpu.memory_space<vmem>>) target(%dma_start3A_104 : memref<16x4096xf32, #tpu.memory_space<hbm>>) target_semaphore(%arg4 : memref<!tpu.dma_semaphore, #tpu.memory_space<semaphore_mem>>)
    %dma_wait3A = arith.constant 0 : i32
    %dma_wait3A_105 = tpu.memref_slice %arg2[%add3A_11, %dma_wait3A] : memref<8192x4096xf32, #tpu.memory_space<hbm>> -> memref<16x4096xf32, #tpu.memory_space<hbm>>
    %dma_wait3A_106 = arith.constant 0 : i32
    %dma_wait3A_107 = tpu.memref_slice %arg2[%add3A_11, %dma_wait3A_106] : memref<8192x4096xf32, #tpu.memory_space<hbm>> -> memref<16x4096xf32, #tpu.memory_space<hbm>>
    tpu.wait_dma2 semaphore(%arg4 : memref<!tpu.dma_semaphore, #tpu.memory_space<semaphore_mem>>) src(%arg3 : memref<16x4096xf32, #tpu.memory_space<vmem>>) dst(%dma_wait3A_107 : memref<16x4096xf32, #tpu.memory_space<hbm>>)
    %dma_wait3A_108 = arith.constant 0 : i32
    %dma_wait3A_109 = tpu.memref_slice %arg2[%add3A_13, %dma_wait3A_108] : memref<8192x4096xf32, #tpu.memory_space<hbm>> -> memref<16x4096xf32, #tpu.memory_space<hbm>>
    %dma_wait3A_110 = arith.constant 0 : i32
    %dma_wait3A_111 = tpu.memref_slice %arg2[%add3A_13, %dma_wait3A_110] : memref<8192x4096xf32, #tpu.memory_space<hbm>> -> memref<16x4096xf32, #tpu.memory_space<hbm>>
    tpu.wait_dma2 semaphore(%arg4 : memref<!tpu.dma_semaphore, #tpu.memory_space<semaphore_mem>>) src(%arg3 : memref<16x4096xf32, #tpu.memory_space<vmem>>) dst(%dma_wait3A_111 : memref<16x4096xf32, #tpu.memory_space<hbm>>)
    %dma_wait3A_112 = arith.constant 0 : i32
    %dma_wait3A_113 = tpu.memref_slice %arg2[%add3A_15, %dma_wait3A_112] : memref<8192x4096xf32, #tpu.memory_space<hbm>> -> memref<16x4096xf32, #tpu.memory_space<hbm>>
    %dma_wait3A_114 = arith.constant 0 : i32
    %dma_wait3A_115 = tpu.memref_slice %arg2[%add3A_15, %dma_wait3A_114] : memref<8192x4096xf32, #tpu.memory_space<hbm>> -> memref<16x4096xf32, #tpu.memory_space<hbm>>
    tpu.wait_dma2 semaphore(%arg4 : memref<!tpu.dma_semaphore, #tpu.memory_space<semaphore_mem>>) src(%arg3 : memref<16x4096xf32, #tpu.memory_space<vmem>>) dst(%dma_wait3A_115 : memref<16x4096xf32, #tpu.memory_space<hbm>>)
    %dma_wait3A_116 = arith.constant 0 : i32
    %dma_wait3A_117 = tpu.memref_slice %arg2[%add3A_17, %dma_wait3A_116] : memref<8192x4096xf32, #tpu.memory_space<hbm>> -> memref<16x4096xf32, #tpu.memory_space<hbm>>
    %dma_wait3A_118 = arith.constant 0 : i32
    %dma_wait3A_119 = tpu.memref_slice %arg2[%add3A_17, %dma_wait3A_118] : memref<8192x4096xf32, #tpu.memory_space<hbm>> -> memref<16x4096xf32, #tpu.memory_space<hbm>>
    tpu.wait_dma2 semaphore(%arg4 : memref<!tpu.dma_semaphore, #tpu.memory_space<semaphore_mem>>) src(%arg3 : memref<16x4096xf32, #tpu.memory_space<vmem>>) dst(%dma_wait3A_119 : memref<16x4096xf32, #tpu.memory_space<hbm>>)
    %dma_wait3A_120 = arith.constant 0 : i32
    %dma_wait3A_121 = tpu.memref_slice %arg2[%add3A_19, %dma_wait3A_120] : memref<8192x4096xf32, #tpu.memory_space<hbm>> -> memref<16x4096xf32, #tpu.memory_space<hbm>>
    %dma_wait3A_122 = arith.constant 0 : i32
    %dma_wait3A_123 = tpu.memref_slice %arg2[%add3A_19, %dma_wait3A_122] : memref<8192x4096xf32, #tpu.memory_space<hbm>> -> memref<16x4096xf32, #tpu.memory_space<hbm>>
    tpu.wait_dma2 semaphore(%arg4 : memref<!tpu.dma_semaphore, #tpu.memory_space<semaphore_mem>>) src(%arg3 : memref<16x4096xf32, #tpu.memory_space<vmem>>) dst(%dma_wait3A_123 : memref<16x4096xf32, #tpu.memory_space<hbm>>)
    %dma_wait3A_124 = arith.constant 0 : i32
    %dma_wait3A_125 = tpu.memref_slice %arg2[%add3A_21, %dma_wait3A_124] : memref<8192x4096xf32, #tpu.memory_space<hbm>> -> memref<16x4096xf32, #tpu.memory_space<hbm>>
    %dma_wait3A_126 = arith.constant 0 : i32
    %dma_wait3A_127 = tpu.memref_slice %arg2[%add3A_21, %dma_wait3A_126] : memref<8192x4096xf32, #tpu.memory_space<hbm>> -> memref<16x4096xf32, #tpu.memory_space<hbm>>
    tpu.wait_dma2 semaphore(%arg4 : memref<!tpu.dma_semaphore, #tpu.memory_space<semaphore_mem>>) src(%arg3 : memref<16x4096xf32, #tpu.memory_space<vmem>>) dst(%dma_wait3A_127 : memref<16x4096xf32, #tpu.memory_space<hbm>>)
    %dma_wait3A_128 = arith.constant 0 : i32
    %dma_wait3A_129 = tpu.memref_slice %arg2[%add3A_23, %dma_wait3A_128] : memref<8192x4096xf32, #tpu.memory_space<hbm>> -> memref<16x4096xf32, #tpu.memory_space<hbm>>
    %dma_wait3A_130 = arith.constant 0 : i32
    %dma_wait3A_131 = tpu.memref_slice %arg2[%add3A_23, %dma_wait3A_130] : memref<8192x4096xf32, #tpu.memory_space<hbm>> -> memref<16x4096xf32, #tpu.memory_space<hbm>>
    tpu.wait_dma2 semaphore(%arg4 : memref<!tpu.dma_semaphore, #tpu.memory_space<semaphore_mem>>) src(%arg3 : memref<16x4096xf32, #tpu.memory_space<vmem>>) dst(%dma_wait3A_131 : memref<16x4096xf32, #tpu.memory_space<hbm>>)
    %dma_wait3A_132 = arith.constant 0 : i32
    %dma_wait3A_133 = tpu.memref_slice %arg2[%add3A_25, %dma_wait3A_132] : memref<8192x4096xf32, #tpu.memory_space<hbm>> -> memref<16x4096xf32, #tpu.memory_space<hbm>>
    %dma_wait3A_134 = arith.constant 0 : i32
    %dma_wait3A_135 = tpu.memref_slice %arg2[%add3A_25, %dma_wait3A_134] : memref<8192x4096xf32, #tpu.memory_space<hbm>> -> memref<16x4096xf32, #tpu.memory_space<hbm>>
    tpu.wait_dma2 semaphore(%arg4 : memref<!tpu.dma_semaphore, #tpu.memory_space<semaphore_mem>>) src(%arg3 : memref<16x4096xf32, #tpu.memory_space<vmem>>) dst(%dma_wait3A_135 : memref<16x4096xf32, #tpu.memory_space<hbm>>)
    %dma_wait3A_136 = arith.constant 0 : i32
    %dma_wait3A_137 = tpu.memref_slice %arg2[%add3A_27, %dma_wait3A_136] : memref<8192x4096xf32, #tpu.memory_space<hbm>> -> memref<16x4096xf32, #tpu.memory_space<hbm>>
    %dma_wait3A_138 = arith.constant 0 : i32
    %dma_wait3A_139 = tpu.memref_slice %arg2[%add3A_27, %dma_wait3A_138] : memref<8192x4096xf32, #tpu.memory_space<hbm>> -> memref<16x4096xf32, #tpu.memory_space<hbm>>
    tpu.wait_dma2 semaphore(%arg4 : memref<!tpu.dma_semaphore, #tpu.memory_space<semaphore_mem>>) src(%arg3 : memref<16x4096xf32, #tpu.memory_space<vmem>>) dst(%dma_wait3A_139 : memref<16x4096xf32, #tpu.memory_space<hbm>>)
    %dma_wait3A_140 = arith.constant 0 : i32
    %dma_wait3A_141 = tpu.memref_slice %arg2[%add3A_29, %dma_wait3A_140] : memref<8192x4096xf32, #tpu.memory_space<hbm>> -> memref<16x4096xf32, #tpu.memory_space<hbm>>
    %dma_wait3A_142 = arith.constant 0 : i32
    %dma_wait3A_143 = tpu.memref_slice %arg2[%add3A_29, %dma_wait3A_142] : memref<8192x4096xf32, #tpu.memory_space<hbm>> -> memref<16x4096xf32, #tpu.memory_space<hbm>>
    tpu.wait_dma2 semaphore(%arg4 : memref<!tpu.dma_semaphore, #tpu.memory_space<semaphore_mem>>) src(%arg3 : memref<16x4096xf32, #tpu.memory_space<vmem>>) dst(%dma_wait3A_143 : memref<16x4096xf32, #tpu.memory_space<hbm>>)
    %dma_wait3A_144 = arith.constant 0 : i32
    %dma_wait3A_145 = tpu.memref_slice %arg2[%add3A_31, %dma_wait3A_144] : memref<8192x4096xf32, #tpu.memory_space<hbm>> -> memref<16x4096xf32, #tpu.memory_space<hbm>>
    %dma_wait3A_146 = arith.constant 0 : i32
    %dma_wait3A_147 = tpu.memref_slice %arg2[%add3A_31, %dma_wait3A_146] : memref<8192x4096xf32, #tpu.memory_space<hbm>> -> memref<16x4096xf32, #tpu.memory_space<hbm>>
    tpu.wait_dma2 semaphore(%arg4 : memref<!tpu.dma_semaphore, #tpu.memory_space<semaphore_mem>>) src(%arg3 : memref<16x4096xf32, #tpu.memory_space<vmem>>) dst(%dma_wait3A_147 : memref<16x4096xf32, #tpu.memory_space<hbm>>)
    %dma_wait3A_148 = arith.constant 0 : i32
    %dma_wait3A_149 = tpu.memref_slice %arg2[%add3A_33, %dma_wait3A_148] : memref<8192x4096xf32, #tpu.memory_space<hbm>> -> memref<16x4096xf32, #tpu.memory_space<hbm>>
    %dma_wait3A_150 = arith.constant 0 : i32
    %dma_wait3A_151 = tpu.memref_slice %arg2[%add3A_33, %dma_wait3A_150] : memref<8192x4096xf32, #tpu.memory_space<hbm>> -> memref<16x4096xf32, #tpu.memory_space<hbm>>
    tpu.wait_dma2 semaphore(%arg4 : memref<!tpu.dma_semaphore, #tpu.memory_space<semaphore_mem>>) src(%arg3 : memref<16x4096xf32, #tpu.memory_space<vmem>>) dst(%dma_wait3A_151 : memref<16x4096xf32, #tpu.memory_space<hbm>>)
    %dma_wait3A_152 = arith.constant 0 : i32
    %dma_wait3A_153 = tpu.memref_slice %arg2[%add3A_35, %dma_wait3A_152] : memref<8192x4096xf32, #tpu.memory_space<hbm>> -> memref<16x4096xf32, #tpu.memory_space<hbm>>
    %dma_wait3A_154 = arith.constant 0 : i32
    %dma_wait3A_155 = tpu.memref_slice %arg2[%add3A_35, %dma_wait3A_154] : memref<8192x4096xf32, #tpu.memory_space<hbm>> -> memref<16x4096xf32, #tpu.memory_space<hbm>>
    tpu.wait_dma2 semaphore(%arg4 : memref<!tpu.dma_semaphore, #tpu.memory_space<semaphore_mem>>) src(%arg3 : memref<16x4096xf32, #tpu.memory_space<vmem>>) dst(%dma_wait3A_155 : memref<16x4096xf32, #tpu.memory_space<hbm>>)
    %dma_wait3A_156 = arith.constant 0 : i32
    %dma_wait3A_157 = tpu.memref_slice %arg2[%add3A_37, %dma_wait3A_156] : memref<8192x4096xf32, #tpu.memory_space<hbm>> -> memref<16x4096xf32, #tpu.memory_space<hbm>>
    %dma_wait3A_158 = arith.constant 0 : i32
    %dma_wait3A_159 = tpu.memref_slice %arg2[%add3A_37, %dma_wait3A_158] : memref<8192x4096xf32, #tpu.memory_space<hbm>> -> memref<16x4096xf32, #tpu.memory_space<hbm>>
    tpu.wait_dma2 semaphore(%arg4 : memref<!tpu.dma_semaphore, #tpu.memory_space<semaphore_mem>>) src(%arg3 : memref<16x4096xf32, #tpu.memory_space<vmem>>) dst(%dma_wait3A_159 : memref<16x4096xf32, #tpu.memory_space<hbm>>)
    %dma_wait3A_160 = arith.constant 0 : i32
    %dma_wait3A_161 = tpu.memref_slice %arg2[%add3A_39, %dma_wait3A_160] : memref<8192x4096xf32, #tpu.memory_space<hbm>> -> memref<16x4096xf32, #tpu.memory_space<hbm>>
    %dma_wait3A_162 = arith.constant 0 : i32
    %dma_wait3A_163 = tpu.memref_slice %arg2[%add3A_39, %dma_wait3A_162] : memref<8192x4096xf32, #tpu.memory_space<hbm>> -> memref<16x4096xf32, #tpu.memory_space<hbm>>
    tpu.wait_dma2 semaphore(%arg4 : memref<!tpu.dma_semaphore, #tpu.memory_space<semaphore_mem>>) src(%arg3 : memref<16x4096xf32, #tpu.memory_space<vmem>>) dst(%dma_wait3A_163 : memref<16x4096xf32, #tpu.memory_space<hbm>>)
    %dma_wait3A_164 = arith.constant 0 : i32
    %dma_wait3A_165 = tpu.memref_slice %arg2[%add3A_41, %dma_wait3A_164] : memref<8192x4096xf32, #tpu.memory_space<hbm>> -> memref<16x4096xf32, #tpu.memory_space<hbm>>
    %dma_wait3A_166 = arith.constant 0 : i32
    %dma_wait3A_167 = tpu.memref_slice %arg2[%add3A_41, %dma_wait3A_166] : memref<8192x4096xf32, #tpu.memory_space<hbm>> -> memref<16x4096xf32, #tpu.memory_space<hbm>>
    tpu.wait_dma2 semaphore(%arg4 : memref<!tpu.dma_semaphore, #tpu.memory_space<semaphore_mem>>) src(%arg3 : memref<16x4096xf32, #tpu.memory_space<vmem>>) dst(%dma_wait3A_167 : memref<16x4096xf32, #tpu.memory_space<hbm>>)
    return
  }
}

#map = affine_map<(d0, d1) -> (0, 0)>
#map1 = affine_map<(d0, d1) -> (0, 0, 0)>
module attributes {stable_mosaic.version = 14 : i64} {
  func.func @_sc_route_body(%arg0: i32, %arg1: i32, %arg2: memref<16x8192xf32, #tpu.memory_space<hbm>>, %arg3: memref<16x2x8192xi32, #tpu.memory_space<hbm>>, %arg4: memref<16x256xf32, #tpu.memory_space<vmem>>, %arg5: memref<16x2x256xi32, #tpu.memory_space<vmem>>) attributes {dimension_semantics = [#tpu.dimension_semantics<core_parallel>, #tpu.dimension_semantics<subcore_parallel>], iteration_bounds = array<i64: 2, 16>, scalar_prefetch = 0 : i64, scratch_operands = 2 : i64, tpu.core_type = #tpu.core_type<sc_vector_subcore>, window_params = [{transform_indices = #map}, {transform_indices = #map1}]} {
    %mul3A = arith.constant 2 : i32
    %mul3A_0 = arith.muli %arg1, %mul3A : i32
    %add3A = arith.addi %mul3A_0, %arg0 : i32
    %mul3A_1 = arith.constant 256 : i32
    %mul3A_2 = arith.muli %add3A, %mul3A_1 : i32
    "tpu.region"() ({
      %run_scoped3A = tpu.sem_alloc : memref<!tpu.dma_semaphore, #tpu.memory_space<semaphore_mem>>
      %dma_start3A = arith.constant 0 : i32
      %dma_start3A_9 = tpu.memref_slice %arg2[%dma_start3A, %mul3A_2] : memref<16x8192xf32, #tpu.memory_space<hbm>> -> memref<16x256xf32, #tpu.memory_space<hbm>>
      %dma_start3A_10 = arith.constant 0 : i32
      %dma_start3A_11 = tpu.memref_slice %arg2[%dma_start3A_10, %mul3A_2] : memref<16x8192xf32, #tpu.memory_space<hbm>> -> memref<16x256xf32, #tpu.memory_space<hbm>>
      tpu.enqueue_dma source(%dma_start3A_11 : memref<16x256xf32, #tpu.memory_space<hbm>>) target(%arg4 : memref<16x256xf32, #tpu.memory_space<vmem>>) target_semaphore(%run_scoped3A : memref<!tpu.dma_semaphore, #tpu.memory_space<semaphore_mem>>)
      %dma_wait3A = arith.constant 0 : i32
      %dma_wait3A_12 = tpu.memref_slice %arg2[%dma_wait3A, %mul3A_2] : memref<16x8192xf32, #tpu.memory_space<hbm>> -> memref<16x256xf32, #tpu.memory_space<hbm>>
      %dma_wait3A_13 = arith.constant 0 : i32
      %dma_wait3A_14 = tpu.memref_slice %arg2[%dma_wait3A_13, %mul3A_2] : memref<16x8192xf32, #tpu.memory_space<hbm>> -> memref<16x256xf32, #tpu.memory_space<hbm>>
      tpu.wait_dma2 semaphore(%run_scoped3A : memref<!tpu.dma_semaphore, #tpu.memory_space<semaphore_mem>>) src(%dma_wait3A_14 : memref<16x256xf32, #tpu.memory_space<hbm>>) dst(%arg4 : memref<16x256xf32, #tpu.memory_space<vmem>>)
      tpu.yield
    }) : () -> ()
    %scan3A = arith.constant 0 : i32
    %scan3A_3 = arith.constant 0 : i32
    %scan3A_4 = arith.constant 16 : i32
    %scan3A_5 = arith.addi %scan3A_3, %scan3A_4 : i32
    %scan3A_6 = arith.constant 1 : i32
    %scan3A_7 = scf.for %scan3A_9 = %scan3A_3 to %scan3A_5 step %scan3A_6 iter_args(%scan3A_10 = %scan3A) -> (i32)  : i32 {
      %mul3A_11 = arith.constant 16 : i32
      %mul3A_12 = arith.muli %scan3A_9, %mul3A_11 : i32
      %get3A = arith.constant 0 : i32
      %get3A_13 = arith.index_cast %get3A : i32 to index
      %get3A_14 = arith.index_cast %mul3A_12 : i32 to index
      %get3A_15 = tpu.vector_load %arg4[%get3A_13, %get3A_14] {strides = array<i32>} : memref<16x256xf32, #tpu.memory_space<vmem>>, vector<1x16xf32>,
      %get3A_16 = vector.shape_cast %get3A_15 : vector<1x16xf32> to vector<16xf32>
      %broadcast_in_dim3A = arith.constant 0 : i32
      %broadcast_in_dim3A_17 = vector.broadcast %broadcast_in_dim3A : i32 to vector<16xi32>
      %get3A_18 = arith.constant 1 : i32
      %get3A_19 = arith.index_cast %get3A_18 : i32 to index
      %get3A_20 = arith.index_cast %mul3A_12 : i32 to index
      %get3A_21 = tpu.vector_load %arg4[%get3A_19, %get3A_20] {strides = array<i32>} : memref<16x256xf32, #tpu.memory_space<vmem>>, vector<1x16xf32>,
      %get3A_22 = vector.shape_cast %get3A_21 : vector<1x16xf32> to vector<16xf32>
      %gt3A = arith.cmpf ogt, %get3A_22, %get3A_16 : vector<16xf32>
      %select_n3A = arith.select %gt3A, %get3A_22, %get3A_16 : vector<16xi1>, vector<16xf32>
      %broadcast_in_dim3A_23 = arith.constant 1 : i32
      %broadcast_in_dim3A_24 = vector.broadcast %broadcast_in_dim3A_23 : i32 to vector<16xi32>
      %select_n3A_25 = arith.select %gt3A, %broadcast_in_dim3A_24, %broadcast_in_dim3A_17 : vector<16xi1>, vector<16xi32>
      %get3A_26 = arith.constant 2 : i32
      %get3A_27 = arith.index_cast %get3A_26 : i32 to index
      %get3A_28 = arith.index_cast %mul3A_12 : i32 to index
      %get3A_29 = tpu.vector_load %arg4[%get3A_27, %get3A_28] {strides = array<i32>} : memref<16x256xf32, #tpu.memory_space<vmem>>, vector<1x16xf32>,
      %get3A_30 = vector.shape_cast %get3A_29 : vector<1x16xf32> to vector<16xf32>
      %gt3A_31 = arith.cmpf ogt, %get3A_30, %select_n3A : vector<16xf32>
      %select_n3A_32 = arith.select %gt3A_31, %get3A_30, %select_n3A : vector<16xi1>, vector<16xf32>
      %broadcast_in_dim3A_33 = arith.constant 2 : i32
      %broadcast_in_dim3A_34 = vector.broadcast %broadcast_in_dim3A_33 : i32 to vector<16xi32>
      %select_n3A_35 = arith.select %gt3A_31, %broadcast_in_dim3A_34, %select_n3A_25 : vector<16xi1>, vector<16xi32>
      %get3A_36 = arith.constant 3 : i32
      %get3A_37 = arith.index_cast %get3A_36 : i32 to index
      %get3A_38 = arith.index_cast %mul3A_12 : i32 to index
      %get3A_39 = tpu.vector_load %arg4[%get3A_37, %get3A_38] {strides = array<i32>} : memref<16x256xf32, #tpu.memory_space<vmem>>, vector<1x16xf32>,
      %get3A_40 = vector.shape_cast %get3A_39 : vector<1x16xf32> to vector<16xf32>
      %gt3A_41 = arith.cmpf ogt, %get3A_40, %select_n3A_32 : vector<16xf32>
      %select_n3A_42 = arith.select %gt3A_41, %get3A_40, %select_n3A_32 : vector<16xi1>, vector<16xf32>
      %broadcast_in_dim3A_43 = arith.constant 3 : i32
      %broadcast_in_dim3A_44 = vector.broadcast %broadcast_in_dim3A_43 : i32 to vector<16xi32>
      %select_n3A_45 = arith.select %gt3A_41, %broadcast_in_dim3A_44, %select_n3A_35 : vector<16xi1>, vector<16xi32>
      %get3A_46 = arith.constant 4 : i32
      %get3A_47 = arith.index_cast %get3A_46 : i32 to index
      %get3A_48 = arith.index_cast %mul3A_12 : i32 to index
      %get3A_49 = tpu.vector_load %arg4[%get3A_47, %get3A_48] {strides = array<i32>} : memref<16x256xf32, #tpu.memory_space<vmem>>, vector<1x16xf32>,
      %get3A_50 = vector.shape_cast %get3A_49 : vector<1x16xf32> to vector<16xf32>
      %gt3A_51 = arith.cmpf ogt, %get3A_50, %select_n3A_42 : vector<16xf32>
      %select_n3A_52 = arith.select %gt3A_51, %get3A_50, %select_n3A_42 : vector<16xi1>, vector<16xf32>
      %broadcast_in_dim3A_53 = arith.constant 4 : i32
      %broadcast_in_dim3A_54 = vector.broadcast %broadcast_in_dim3A_53 : i32 to vector<16xi32>
      %select_n3A_55 = arith.select %gt3A_51, %broadcast_in_dim3A_54, %select_n3A_45 : vector<16xi1>, vector<16xi32>
      %get3A_56 = arith.constant 5 : i32
      %get3A_57 = arith.index_cast %get3A_56 : i32 to index
      %get3A_58 = arith.index_cast %mul3A_12 : i32 to index
      %get3A_59 = tpu.vector_load %arg4[%get3A_57, %get3A_58] {strides = array<i32>} : memref<16x256xf32, #tpu.memory_space<vmem>>, vector<1x16xf32>,
      %get3A_60 = vector.shape_cast %get3A_59 : vector<1x16xf32> to vector<16xf32>
      %gt3A_61 = arith.cmpf ogt, %get3A_60, %select_n3A_52 : vector<16xf32>
      %select_n3A_62 = arith.select %gt3A_61, %get3A_60, %select_n3A_52 : vector<16xi1>, vector<16xf32>
      %broadcast_in_dim3A_63 = arith.constant 5 : i32
      %broadcast_in_dim3A_64 = vector.broadcast %broadcast_in_dim3A_63 : i32 to vector<16xi32>
      %select_n3A_65 = arith.select %gt3A_61, %broadcast_in_dim3A_64, %select_n3A_55 : vector<16xi1>, vector<16xi32>
      %get3A_66 = arith.constant 6 : i32
      %get3A_67 = arith.index_cast %get3A_66 : i32 to index
      %get3A_68 = arith.index_cast %mul3A_12 : i32 to index
      %get3A_69 = tpu.vector_load %arg4[%get3A_67, %get3A_68] {strides = array<i32>} : memref<16x256xf32, #tpu.memory_space<vmem>>, vector<1x16xf32>,
      %get3A_70 = vector.shape_cast %get3A_69 : vector<1x16xf32> to vector<16xf32>
      %gt3A_71 = arith.cmpf ogt, %get3A_70, %select_n3A_62 : vector<16xf32>
      %select_n3A_72 = arith.select %gt3A_71, %get3A_70, %select_n3A_62 : vector<16xi1>, vector<16xf32>
      %broadcast_in_dim3A_73 = arith.constant 6 : i32
      %broadcast_in_dim3A_74 = vector.broadcast %broadcast_in_dim3A_73 : i32 to vector<16xi32>
      %select_n3A_75 = arith.select %gt3A_71, %broadcast_in_dim3A_74, %select_n3A_65 : vector<16xi1>, vector<16xi32>
      %get3A_76 = arith.constant 7 : i32
      %get3A_77 = arith.index_cast %get3A_76 : i32 to index
      %get3A_78 = arith.index_cast %mul3A_12 : i32 to index
      %get3A_79 = tpu.vector_load %arg4[%get3A_77, %get3A_78] {strides = array<i32>} : memref<16x256xf32, #tpu.memory_space<vmem>>, vector<1x16xf32>,
      %get3A_80 = vector.shape_cast %get3A_79 : vector<1x16xf32> to vector<16xf32>
      %gt3A_81 = arith.cmpf ogt, %get3A_80, %select_n3A_72 : vector<16xf32>
      %select_n3A_82 = arith.select %gt3A_81, %get3A_80, %select_n3A_72 : vector<16xi1>, vector<16xf32>
      %broadcast_in_dim3A_83 = arith.constant 7 : i32
      %broadcast_in_dim3A_84 = vector.broadcast %broadcast_in_dim3A_83 : i32 to vector<16xi32>
      %select_n3A_85 = arith.select %gt3A_81, %broadcast_in_dim3A_84, %select_n3A_75 : vector<16xi1>, vector<16xi32>
      %get3A_86 = arith.constant 8 : i32
      %get3A_87 = arith.index_cast %get3A_86 : i32 to index
      %get3A_88 = arith.index_cast %mul3A_12 : i32 to index
      %get3A_89 = tpu.vector_load %arg4[%get3A_87, %get3A_88] {strides = array<i32>} : memref<16x256xf32, #tpu.memory_space<vmem>>, vector<1x16xf32>,
      %get3A_90 = vector.shape_cast %get3A_89 : vector<1x16xf32> to vector<16xf32>
      %gt3A_91 = arith.cmpf ogt, %get3A_90, %select_n3A_82 : vector<16xf32>
      %select_n3A_92 = arith.select %gt3A_91, %get3A_90, %select_n3A_82 : vector<16xi1>, vector<16xf32>
      %broadcast_in_dim3A_93 = arith.constant 8 : i32
      %broadcast_in_dim3A_94 = vector.broadcast %broadcast_in_dim3A_93 : i32 to vector<16xi32>
      %select_n3A_95 = arith.select %gt3A_91, %broadcast_in_dim3A_94, %select_n3A_85 : vector<16xi1>, vector<16xi32>
      %get3A_96 = arith.constant 9 : i32
      %get3A_97 = arith.index_cast %get3A_96 : i32 to index
      %get3A_98 = arith.index_cast %mul3A_12 : i32 to index
      %get3A_99 = tpu.vector_load %arg4[%get3A_97, %get3A_98] {strides = array<i32>} : memref<16x256xf32, #tpu.memory_space<vmem>>, vector<1x16xf32>,
      %get3A_100 = vector.shape_cast %get3A_99 : vector<1x16xf32> to vector<16xf32>
      %gt3A_101 = arith.cmpf ogt, %get3A_100, %select_n3A_92 : vector<16xf32>
      %select_n3A_102 = arith.select %gt3A_101, %get3A_100, %select_n3A_92 : vector<16xi1>, vector<16xf32>
      %broadcast_in_dim3A_103 = arith.constant 9 : i32
      %broadcast_in_dim3A_104 = vector.broadcast %broadcast_in_dim3A_103 : i32 to vector<16xi32>
      %select_n3A_105 = arith.select %gt3A_101, %broadcast_in_dim3A_104, %select_n3A_95 : vector<16xi1>, vector<16xi32>
      %get3A_106 = arith.constant 10 : i32
      %get3A_107 = arith.index_cast %get3A_106 : i32 to index
      %get3A_108 = arith.index_cast %mul3A_12 : i32 to index
      %get3A_109 = tpu.vector_load %arg4[%get3A_107, %get3A_108] {strides = array<i32>} : memref<16x256xf32, #tpu.memory_space<vmem>>, vector<1x16xf32>,
      %get3A_110 = vector.shape_cast %get3A_109 : vector<1x16xf32> to vector<16xf32>
      %gt3A_111 = arith.cmpf ogt, %get3A_110, %select_n3A_102 : vector<16xf32>
      %select_n3A_112 = arith.select %gt3A_111, %get3A_110, %select_n3A_102 : vector<16xi1>, vector<16xf32>
      %broadcast_in_dim3A_113 = arith.constant 10 : i32
      %broadcast_in_dim3A_114 = vector.broadcast %broadcast_in_dim3A_113 : i32 to vector<16xi32>
      %select_n3A_115 = arith.select %gt3A_111, %broadcast_in_dim3A_114, %select_n3A_105 : vector<16xi1>, vector<16xi32>
      %get3A_116 = arith.constant 11 : i32
      %get3A_117 = arith.index_cast %get3A_116 : i32 to index
      %get3A_118 = arith.index_cast %mul3A_12 : i32 to index
      %get3A_119 = tpu.vector_load %arg4[%get3A_117, %get3A_118] {strides = array<i32>} : memref<16x256xf32, #tpu.memory_space<vmem>>, vector<1x16xf32>,
      %get3A_120 = vector.shape_cast %get3A_119 : vector<1x16xf32> to vector<16xf32>
      %gt3A_121 = arith.cmpf ogt, %get3A_120, %select_n3A_112 : vector<16xf32>
      %select_n3A_122 = arith.select %gt3A_121, %get3A_120, %select_n3A_112 : vector<16xi1>, vector<16xf32>
      %broadcast_in_dim3A_123 = arith.constant 11 : i32
      %broadcast_in_dim3A_124 = vector.broadcast %broadcast_in_dim3A_123 : i32 to vector<16xi32>
      %select_n3A_125 = arith.select %gt3A_121, %broadcast_in_dim3A_124, %select_n3A_115 : vector<16xi1>, vector<16xi32>
      %get3A_126 = arith.constant 12 : i32
      %get3A_127 = arith.index_cast %get3A_126 : i32 to index
      %get3A_128 = arith.index_cast %mul3A_12 : i32 to index
      %get3A_129 = tpu.vector_load %arg4[%get3A_127, %get3A_128] {strides = array<i32>} : memref<16x256xf32, #tpu.memory_space<vmem>>, vector<1x16xf32>,
      %get3A_130 = vector.shape_cast %get3A_129 : vector<1x16xf32> to vector<16xf32>
      %gt3A_131 = arith.cmpf ogt, %get3A_130, %select_n3A_122 : vector<16xf32>
      %select_n3A_132 = arith.select %gt3A_131, %get3A_130, %select_n3A_122 : vector<16xi1>, vector<16xf32>
      %broadcast_in_dim3A_133 = arith.constant 12 : i32
      %broadcast_in_dim3A_134 = vector.broadcast %broadcast_in_dim3A_133 : i32 to vector<16xi32>
      %select_n3A_135 = arith.select %gt3A_131, %broadcast_in_dim3A_134, %select_n3A_125 : vector<16xi1>, vector<16xi32>
      %get3A_136 = arith.constant 13 : i32
      %get3A_137 = arith.index_cast %get3A_136 : i32 to index
      %get3A_138 = arith.index_cast %mul3A_12 : i32 to index
      %get3A_139 = tpu.vector_load %arg4[%get3A_137, %get3A_138] {strides = array<i32>} : memref<16x256xf32, #tpu.memory_space<vmem>>, vector<1x16xf32>,
      %get3A_140 = vector.shape_cast %get3A_139 : vector<1x16xf32> to vector<16xf32>
      %gt3A_141 = arith.cmpf ogt, %get3A_140, %select_n3A_132 : vector<16xf32>
      %select_n3A_142 = arith.select %gt3A_141, %get3A_140, %select_n3A_132 : vector<16xi1>, vector<16xf32>
      %broadcast_in_dim3A_143 = arith.constant 13 : i32
      %broadcast_in_dim3A_144 = vector.broadcast %broadcast_in_dim3A_143 : i32 to vector<16xi32>
      %select_n3A_145 = arith.select %gt3A_141, %broadcast_in_dim3A_144, %select_n3A_135 : vector<16xi1>, vector<16xi32>
      %get3A_146 = arith.constant 14 : i32
      %get3A_147 = arith.index_cast %get3A_146 : i32 to index
      %get3A_148 = arith.index_cast %mul3A_12 : i32 to index
      %get3A_149 = tpu.vector_load %arg4[%get3A_147, %get3A_148] {strides = array<i32>} : memref<16x256xf32, #tpu.memory_space<vmem>>, vector<1x16xf32>,
      %get3A_150 = vector.shape_cast %get3A_149 : vector<1x16xf32> to vector<16xf32>
      %gt3A_151 = arith.cmpf ogt, %get3A_150, %select_n3A_142 : vector<16xf32>
      %select_n3A_152 = arith.select %gt3A_151, %get3A_150, %select_n3A_142 : vector<16xi1>, vector<16xf32>
      %broadcast_in_dim3A_153 = arith.constant 14 : i32
      %broadcast_in_dim3A_154 = vector.broadcast %broadcast_in_dim3A_153 : i32 to vector<16xi32>
      %select_n3A_155 = arith.select %gt3A_151, %broadcast_in_dim3A_154, %select_n3A_145 : vector<16xi1>, vector<16xi32>
      %get3A_156 = arith.constant 15 : i32
      %get3A_157 = arith.index_cast %get3A_156 : i32 to index
      %get3A_158 = arith.index_cast %mul3A_12 : i32 to index
      %get3A_159 = tpu.vector_load %arg4[%get3A_157, %get3A_158] {strides = array<i32>} : memref<16x256xf32, #tpu.memory_space<vmem>>, vector<1x16xf32>,
      %get3A_160 = vector.shape_cast %get3A_159 : vector<1x16xf32> to vector<16xf32>
      %gt3A_161 = arith.cmpf ogt, %get3A_160, %select_n3A_152 : vector<16xf32>
      %select_n3A_162 = arith.select %gt3A_161, %get3A_160, %select_n3A_152 : vector<16xi1>, vector<16xf32>
      %broadcast_in_dim3A_163 = arith.constant 15 : i32
      %broadcast_in_dim3A_164 = vector.broadcast %broadcast_in_dim3A_163 : i32 to vector<16xi32>
      %select_n3A_165 = arith.select %gt3A_161, %broadcast_in_dim3A_164, %select_n3A_155 : vector<16xi1>, vector<16xi32>
      %broadcast_in_dim3A_166 = arith.constant 0xFF800000 : f32
      %broadcast_in_dim3A_167 = vector.broadcast %broadcast_in_dim3A_166 : f32 to vector<16xf32>
      %broadcast_in_dim3A_168 = arith.constant 0 : i32
      %broadcast_in_dim3A_169 = vector.broadcast %broadcast_in_dim3A_168 : i32 to vector<16xi32>
      %get3A_170 = arith.constant 0 : i32
      %get3A_171 = arith.index_cast %get3A_170 : i32 to index
      %get3A_172 = arith.index_cast %mul3A_12 : i32 to index
      %get3A_173 = tpu.vector_load %arg4[%get3A_171, %get3A_172] {strides = array<i32>} : memref<16x256xf32, #tpu.memory_space<vmem>>, vector<1x16xf32>,
      %get3A_174 = vector.shape_cast %get3A_173 : vector<1x16xf32> to vector<16xf32>
      %gt3A_175 = arith.cmpf ogt, %get3A_174, %broadcast_in_dim3A_167 : vector<16xf32>
      %ne3A = arith.constant 0 : i32
      %ne3A_176 = vector.broadcast %ne3A : i32 to vector<16xi32>
      %ne3A_177 = arith.cmpi ne, %select_n3A_165, %ne3A_176 : vector<16xi32>
      %and3A = arith.andi %gt3A_175, %ne3A_177 : vector<16xi1>
      %select_n3A_178 = arith.select %and3A, %get3A_174, %broadcast_in_dim3A_167 : vector<16xi1>, vector<16xf32>
      %broadcast_in_dim3A_179 = arith.constant 0 : i32
      %broadcast_in_dim3A_180 = vector.broadcast %broadcast_in_dim3A_179 : i32 to vector<16xi32>
      %select_n3A_181 = arith.select %and3A, %broadcast_in_dim3A_180, %broadcast_in_dim3A_169 : vector<16xi1>, vector<16xi32>
      %get3A_182 = arith.constant 1 : i32
      %get3A_183 = arith.index_cast %get3A_182 : i32 to index
      %get3A_184 = arith.index_cast %mul3A_12 : i32 to index
      %get3A_185 = tpu.vector_load %arg4[%get3A_183, %get3A_184] {strides = array<i32>} : memref<16x256xf32, #tpu.memory_space<vmem>>, vector<1x16xf32>,
      %get3A_186 = vector.shape_cast %get3A_185 : vector<1x16xf32> to vector<16xf32>
      %gt3A_187 = arith.cmpf ogt, %get3A_186, %select_n3A_178 : vector<16xf32>
      %ne3A_188 = arith.constant 1 : i32
      %ne3A_189 = vector.broadcast %ne3A_188 : i32 to vector<16xi32>
      %ne3A_190 = arith.cmpi ne, %select_n3A_165, %ne3A_189 : vector<16xi32>
      %and3A_191 = arith.andi %gt3A_187, %ne3A_190 : vector<16xi1>
      %select_n3A_192 = arith.select %and3A_191, %get3A_186, %select_n3A_178 : vector<16xi1>, vector<16xf32>
      %broadcast_in_dim3A_193 = arith.constant 1 : i32
      %broadcast_in_dim3A_194 = vector.broadcast %broadcast_in_dim3A_193 : i32 to vector<16xi32>
      %select_n3A_195 = arith.select %and3A_191, %broadcast_in_dim3A_194, %select_n3A_181 : vector<16xi1>, vector<16xi32>
      %get3A_196 = arith.constant 2 : i32
      %get3A_197 = arith.index_cast %get3A_196 : i32 to index
      %get3A_198 = arith.index_cast %mul3A_12 : i32 to index
      %get3A_199 = tpu.vector_load %arg4[%get3A_197, %get3A_198] {strides = array<i32>} : memref<16x256xf32, #tpu.memory_space<vmem>>, vector<1x16xf32>,
      %get3A_200 = vector.shape_cast %get3A_199 : vector<1x16xf32> to vector<16xf32>
      %gt3A_201 = arith.cmpf ogt, %get3A_200, %select_n3A_192 : vector<16xf32>
      %ne3A_202 = arith.constant 2 : i32
      %ne3A_203 = vector.broadcast %ne3A_202 : i32 to vector<16xi32>
      %ne3A_204 = arith.cmpi ne, %select_n3A_165, %ne3A_203 : vector<16xi32>
      %and3A_205 = arith.andi %gt3A_201, %ne3A_204 : vector<16xi1>
      %select_n3A_206 = arith.select %and3A_205, %get3A_200, %select_n3A_192 : vector<16xi1>, vector<16xf32>
      %broadcast_in_dim3A_207 = arith.constant 2 : i32
      %broadcast_in_dim3A_208 = vector.broadcast %broadcast_in_dim3A_207 : i32 to vector<16xi32>
      %select_n3A_209 = arith.select %and3A_205, %broadcast_in_dim3A_208, %select_n3A_195 : vector<16xi1>, vector<16xi32>
      %get3A_210 = arith.constant 3 : i32
      %get3A_211 = arith.index_cast %get3A_210 : i32 to index
      %get3A_212 = arith.index_cast %mul3A_12 : i32 to index
      %get3A_213 = tpu.vector_load %arg4[%get3A_211, %get3A_212] {strides = array<i32>} : memref<16x256xf32, #tpu.memory_space<vmem>>, vector<1x16xf32>,
      %get3A_214 = vector.shape_cast %get3A_213 : vector<1x16xf32> to vector<16xf32>
      %gt3A_215 = arith.cmpf ogt, %get3A_214, %select_n3A_206 : vector<16xf32>
      %ne3A_216 = arith.constant 3 : i32
      %ne3A_217 = vector.broadcast %ne3A_216 : i32 to vector<16xi32>
      %ne3A_218 = arith.cmpi ne, %select_n3A_165, %ne3A_217 : vector<16xi32>
      %and3A_219 = arith.andi %gt3A_215, %ne3A_218 : vector<16xi1>
      %select_n3A_220 = arith.select %and3A_219, %get3A_214, %select_n3A_206 : vector<16xi1>, vector<16xf32>
      %broadcast_in_dim3A_221 = arith.constant 3 : i32
      %broadcast_in_dim3A_222 = vector.broadcast %broadcast_in_dim3A_221 : i32 to vector<16xi32>
      %select_n3A_223 = arith.select %and3A_219, %broadcast_in_dim3A_222, %select_n3A_209 : vector<16xi1>, vector<16xi32>
      %get3A_224 = arith.constant 4 : i32
      %get3A_225 = arith.index_cast %get3A_224 : i32 to index
      %get3A_226 = arith.index_cast %mul3A_12 : i32 to index
      %get3A_227 = tpu.vector_load %arg4[%get3A_225, %get3A_226] {strides = array<i32>} : memref<16x256xf32, #tpu.memory_space<vmem>>, vector<1x16xf32>,
      %get3A_228 = vector.shape_cast %get3A_227 : vector<1x16xf32> to vector<16xf32>
      %gt3A_229 = arith.cmpf ogt, %get3A_228, %select_n3A_220 : vector<16xf32>
      %ne3A_230 = arith.constant 4 : i32
      %ne3A_231 = vector.broadcast %ne3A_230 : i32 to vector<16xi32>
      %ne3A_232 = arith.cmpi ne, %select_n3A_165, %ne3A_231 : vector<16xi32>
      %and3A_233 = arith.andi %gt3A_229, %ne3A_232 : vector<16xi1>
      %select_n3A_234 = arith.select %and3A_233, %get3A_228, %select_n3A_220 : vector<16xi1>, vector<16xf32>
      %broadcast_in_dim3A_235 = arith.constant 4 : i32
      %broadcast_in_dim3A_236 = vector.broadcast %broadcast_in_dim3A_235 : i32 to vector<16xi32>
      %select_n3A_237 = arith.select %and3A_233, %broadcast_in_dim3A_236, %select_n3A_223 : vector<16xi1>, vector<16xi32>
      %get3A_238 = arith.constant 5 : i32
      %get3A_239 = arith.index_cast %get3A_238 : i32 to index
      %get3A_240 = arith.index_cast %mul3A_12 : i32 to index
      %get3A_241 = tpu.vector_load %arg4[%get3A_239, %get3A_240] {strides = array<i32>} : memref<16x256xf32, #tpu.memory_space<vmem>>, vector<1x16xf32>,
      %get3A_242 = vector.shape_cast %get3A_241 : vector<1x16xf32> to vector<16xf32>
      %gt3A_243 = arith.cmpf ogt, %get3A_242, %select_n3A_234 : vector<16xf32>
      %ne3A_244 = arith.constant 5 : i32
      %ne3A_245 = vector.broadcast %ne3A_244 : i32 to vector<16xi32>
      %ne3A_246 = arith.cmpi ne, %select_n3A_165, %ne3A_245 : vector<16xi32>
      %and3A_247 = arith.andi %gt3A_243, %ne3A_246 : vector<16xi1>
      %select_n3A_248 = arith.select %and3A_247, %get3A_242, %select_n3A_234 : vector<16xi1>, vector<16xf32>
      %broadcast_in_dim3A_249 = arith.constant 5 : i32
      %broadcast_in_dim3A_250 = vector.broadcast %broadcast_in_dim3A_249 : i32 to vector<16xi32>
      %select_n3A_251 = arith.select %and3A_247, %broadcast_in_dim3A_250, %select_n3A_237 : vector<16xi1>, vector<16xi32>
      %get3A_252 = arith.constant 6 : i32
      %get3A_253 = arith.index_cast %get3A_252 : i32 to index
      %get3A_254 = arith.index_cast %mul3A_12 : i32 to index
      %get3A_255 = tpu.vector_load %arg4[%get3A_253, %get3A_254] {strides = array<i32>} : memref<16x256xf32, #tpu.memory_space<vmem>>, vector<1x16xf32>,
      %get3A_256 = vector.shape_cast %get3A_255 : vector<1x16xf32> to vector<16xf32>
      %gt3A_257 = arith.cmpf ogt, %get3A_256, %select_n3A_248 : vector<16xf32>
      %ne3A_258 = arith.constant 6 : i32
      %ne3A_259 = vector.broadcast %ne3A_258 : i32 to vector<16xi32>
      %ne3A_260 = arith.cmpi ne, %select_n3A_165, %ne3A_259 : vector<16xi32>
      %and3A_261 = arith.andi %gt3A_257, %ne3A_260 : vector<16xi1>
      %select_n3A_262 = arith.select %and3A_261, %get3A_256, %select_n3A_248 : vector<16xi1>, vector<16xf32>
      %broadcast_in_dim3A_263 = arith.constant 6 : i32
      %broadcast_in_dim3A_264 = vector.broadcast %broadcast_in_dim3A_263 : i32 to vector<16xi32>
      %select_n3A_265 = arith.select %and3A_261, %broadcast_in_dim3A_264, %select_n3A_251 : vector<16xi1>, vector<16xi32>
      %get3A_266 = arith.constant 7 : i32
      %get3A_267 = arith.index_cast %get3A_266 : i32 to index
      %get3A_268 = arith.index_cast %mul3A_12 : i32 to index
      %get3A_269 = tpu.vector_load %arg4[%get3A_267, %get3A_268] {strides = array<i32>} : memref<16x256xf32, #tpu.memory_space<vmem>>, vector<1x16xf32>,
      %get3A_270 = vector.shape_cast %get3A_269 : vector<1x16xf32> to vector<16xf32>
      %gt3A_271 = arith.cmpf ogt, %get3A_270, %select_n3A_262 : vector<16xf32>
      %ne3A_272 = arith.constant 7 : i32
      %ne3A_273 = vector.broadcast %ne3A_272 : i32 to vector<16xi32>
      %ne3A_274 = arith.cmpi ne, %select_n3A_165, %ne3A_273 : vector<16xi32>
      %and3A_275 = arith.andi %gt3A_271, %ne3A_274 : vector<16xi1>
      %select_n3A_276 = arith.select %and3A_275, %get3A_270, %select_n3A_262 : vector<16xi1>, vector<16xf32>
      %broadcast_in_dim3A_277 = arith.constant 7 : i32
      %broadcast_in_dim3A_278 = vector.broadcast %broadcast_in_dim3A_277 : i32 to vector<16xi32>
      %select_n3A_279 = arith.select %and3A_275, %broadcast_in_dim3A_278, %select_n3A_265 : vector<16xi1>, vector<16xi32>
      %get3A_280 = arith.constant 8 : i32
      %get3A_281 = arith.index_cast %get3A_280 : i32 to index
      %get3A_282 = arith.index_cast %mul3A_12 : i32 to index
      %get3A_283 = tpu.vector_load %arg4[%get3A_281, %get3A_282] {strides = array<i32>} : memref<16x256xf32, #tpu.memory_space<vmem>>, vector<1x16xf32>,
      %get3A_284 = vector.shape_cast %get3A_283 : vector<1x16xf32> to vector<16xf32>
      %gt3A_285 = arith.cmpf ogt, %get3A_284, %select_n3A_276 : vector<16xf32>
      %ne3A_286 = arith.constant 8 : i32
      %ne3A_287 = vector.broadcast %ne3A_286 : i32 to vector<16xi32>
      %ne3A_288 = arith.cmpi ne, %select_n3A_165, %ne3A_287 : vector<16xi32>
      %and3A_289 = arith.andi %gt3A_285, %ne3A_288 : vector<16xi1>
      %select_n3A_290 = arith.select %and3A_289, %get3A_284, %select_n3A_276 : vector<16xi1>, vector<16xf32>
      %broadcast_in_dim3A_291 = arith.constant 8 : i32
      %broadcast_in_dim3A_292 = vector.broadcast %broadcast_in_dim3A_291 : i32 to vector<16xi32>
      %select_n3A_293 = arith.select %and3A_289, %broadcast_in_dim3A_292, %select_n3A_279 : vector<16xi1>, vector<16xi32>
      %get3A_294 = arith.constant 9 : i32
      %get3A_295 = arith.index_cast %get3A_294 : i32 to index
      %get3A_296 = arith.index_cast %mul3A_12 : i32 to index
      %get3A_297 = tpu.vector_load %arg4[%get3A_295, %get3A_296] {strides = array<i32>} : memref<16x256xf32, #tpu.memory_space<vmem>>, vector<1x16xf32>,
      %get3A_298 = vector.shape_cast %get3A_297 : vector<1x16xf32> to vector<16xf32>
      %gt3A_299 = arith.cmpf ogt, %get3A_298, %select_n3A_290 : vector<16xf32>
      %ne3A_300 = arith.constant 9 : i32
      %ne3A_301 = vector.broadcast %ne3A_300 : i32 to vector<16xi32>
      %ne3A_302 = arith.cmpi ne, %select_n3A_165, %ne3A_301 : vector<16xi32>
      %and3A_303 = arith.andi %gt3A_299, %ne3A_302 : vector<16xi1>
      %select_n3A_304 = arith.select %and3A_303, %get3A_298, %select_n3A_290 : vector<16xi1>, vector<16xf32>
      %broadcast_in_dim3A_305 = arith.constant 9 : i32
      %broadcast_in_dim3A_306 = vector.broadcast %broadcast_in_dim3A_305 : i32 to vector<16xi32>
      %select_n3A_307 = arith.select %and3A_303, %broadcast_in_dim3A_306, %select_n3A_293 : vector<16xi1>, vector<16xi32>
      %get3A_308 = arith.constant 10 : i32
      %get3A_309 = arith.index_cast %get3A_308 : i32 to index
      %get3A_310 = arith.index_cast %mul3A_12 : i32 to index
      %get3A_311 = tpu.vector_load %arg4[%get3A_309, %get3A_310] {strides = array<i32>} : memref<16x256xf32, #tpu.memory_space<vmem>>, vector<1x16xf32>,
      %get3A_312 = vector.shape_cast %get3A_311 : vector<1x16xf32> to vector<16xf32>
      %gt3A_313 = arith.cmpf ogt, %get3A_312, %select_n3A_304 : vector<16xf32>
      %ne3A_314 = arith.constant 10 : i32
      %ne3A_315 = vector.broadcast %ne3A_314 : i32 to vector<16xi32>
      %ne3A_316 = arith.cmpi ne, %select_n3A_165, %ne3A_315 : vector<16xi32>
      %and3A_317 = arith.andi %gt3A_313, %ne3A_316 : vector<16xi1>
      %select_n3A_318 = arith.select %and3A_317, %get3A_312, %select_n3A_304 : vector<16xi1>, vector<16xf32>
      %broadcast_in_dim3A_319 = arith.constant 10 : i32
      %broadcast_in_dim3A_320 = vector.broadcast %broadcast_in_dim3A_319 : i32 to vector<16xi32>
      %select_n3A_321 = arith.select %and3A_317, %broadcast_in_dim3A_320, %select_n3A_307 : vector<16xi1>, vector<16xi32>
      %get3A_322 = arith.constant 11 : i32
      %get3A_323 = arith.index_cast %get3A_322 : i32 to index
      %get3A_324 = arith.index_cast %mul3A_12 : i32 to index
      %get3A_325 = tpu.vector_load %arg4[%get3A_323, %get3A_324] {strides = array<i32>} : memref<16x256xf32, #tpu.memory_space<vmem>>, vector<1x16xf32>,
      %get3A_326 = vector.shape_cast %get3A_325 : vector<1x16xf32> to vector<16xf32>
      %gt3A_327 = arith.cmpf ogt, %get3A_326, %select_n3A_318 : vector<16xf32>
      %ne3A_328 = arith.constant 11 : i32
      %ne3A_329 = vector.broadcast %ne3A_328 : i32 to vector<16xi32>
      %ne3A_330 = arith.cmpi ne, %select_n3A_165, %ne3A_329 : vector<16xi32>
      %and3A_331 = arith.andi %gt3A_327, %ne3A_330 : vector<16xi1>
      %select_n3A_332 = arith.select %and3A_331, %get3A_326, %select_n3A_318 : vector<16xi1>, vector<16xf32>
      %broadcast_in_dim3A_333 = arith.constant 11 : i32
      %broadcast_in_dim3A_334 = vector.broadcast %broadcast_in_dim3A_333 : i32 to vector<16xi32>
      %select_n3A_335 = arith.select %and3A_331, %broadcast_in_dim3A_334, %select_n3A_321 : vector<16xi1>, vector<16xi32>
      %get3A_336 = arith.constant 12 : i32
      %get3A_337 = arith.index_cast %get3A_336 : i32 to index
      %get3A_338 = arith.index_cast %mul3A_12 : i32 to index
      %get3A_339 = tpu.vector_load %arg4[%get3A_337, %get3A_338] {strides = array<i32>} : memref<16x256xf32, #tpu.memory_space<vmem>>, vector<1x16xf32>,
      %get3A_340 = vector.shape_cast %get3A_339 : vector<1x16xf32> to vector<16xf32>
      %gt3A_341 = arith.cmpf ogt, %get3A_340, %select_n3A_332 : vector<16xf32>
      %ne3A_342 = arith.constant 12 : i32
      %ne3A_343 = vector.broadcast %ne3A_342 : i32 to vector<16xi32>
      %ne3A_344 = arith.cmpi ne, %select_n3A_165, %ne3A_343 : vector<16xi32>
      %and3A_345 = arith.andi %gt3A_341, %ne3A_344 : vector<16xi1>
      %select_n3A_346 = arith.select %and3A_345, %get3A_340, %select_n3A_332 : vector<16xi1>, vector<16xf32>
      %broadcast_in_dim3A_347 = arith.constant 12 : i32
      %broadcast_in_dim3A_348 = vector.broadcast %broadcast_in_dim3A_347 : i32 to vector<16xi32>
      %select_n3A_349 = arith.select %and3A_345, %broadcast_in_dim3A_348, %select_n3A_335 : vector<16xi1>, vector<16xi32>
      %get3A_350 = arith.constant 13 : i32
      %get3A_351 = arith.index_cast %get3A_350 : i32 to index
      %get3A_352 = arith.index_cast %mul3A_12 : i32 to index
      %get3A_353 = tpu.vector_load %arg4[%get3A_351, %get3A_352] {strides = array<i32>} : memref<16x256xf32, #tpu.memory_space<vmem>>, vector<1x16xf32>,
      %get3A_354 = vector.shape_cast %get3A_353 : vector<1x16xf32> to vector<16xf32>
      %gt3A_355 = arith.cmpf ogt, %get3A_354, %select_n3A_346 : vector<16xf32>
      %ne3A_356 = arith.constant 13 : i32
      %ne3A_357 = vector.broadcast %ne3A_356 : i32 to vector<16xi32>
      %ne3A_358 = arith.cmpi ne, %select_n3A_165, %ne3A_357 : vector<16xi32>
      %and3A_359 = arith.andi %gt3A_355, %ne3A_358 : vector<16xi1>
      %select_n3A_360 = arith.select %and3A_359, %get3A_354, %select_n3A_346 : vector<16xi1>, vector<16xf32>
      %broadcast_in_dim3A_361 = arith.constant 13 : i32
      %broadcast_in_dim3A_362 = vector.broadcast %broadcast_in_dim3A_361 : i32 to vector<16xi32>
      %select_n3A_363 = arith.select %and3A_359, %broadcast_in_dim3A_362, %select_n3A_349 : vector<16xi1>, vector<16xi32>
      %get3A_364 = arith.constant 14 : i32
      %get3A_365 = arith.index_cast %get3A_364 : i32 to index
      %get3A_366 = arith.index_cast %mul3A_12 : i32 to index
      %get3A_367 = tpu.vector_load %arg4[%get3A_365, %get3A_366] {strides = array<i32>} : memref<16x256xf32, #tpu.memory_space<vmem>>, vector<1x16xf32>,
      %get3A_368 = vector.shape_cast %get3A_367 : vector<1x16xf32> to vector<16xf32>
      %gt3A_369 = arith.cmpf ogt, %get3A_368, %select_n3A_360 : vector<16xf32>
      %ne3A_370 = arith.constant 14 : i32
      %ne3A_371 = vector.broadcast %ne3A_370 : i32 to vector<16xi32>
      %ne3A_372 = arith.cmpi ne, %select_n3A_165, %ne3A_371 : vector<16xi32>
      %and3A_373 = arith.andi %gt3A_369, %ne3A_372 : vector<16xi1>
      %select_n3A_374 = arith.select %and3A_373, %get3A_368, %select_n3A_360 : vector<16xi1>, vector<16xf32>
      %broadcast_in_dim3A_375 = arith.constant 14 : i32
      %broadcast_in_dim3A_376 = vector.broadcast %broadcast_in_dim3A_375 : i32 to vector<16xi32>
      %select_n3A_377 = arith.select %and3A_373, %broadcast_in_dim3A_376, %select_n3A_363 : vector<16xi1>, vector<16xi32>
      %get3A_378 = arith.constant 15 : i32
      %get3A_379 = arith.index_cast %get3A_378 : i32 to index
      %get3A_380 = arith.index_cast %mul3A_12 : i32 to index
      %get3A_381 = tpu.vector_load %arg4[%get3A_379, %get3A_380] {strides = array<i32>} : memref<16x256xf32, #tpu.memory_space<vmem>>, vector<1x16xf32>,
      %get3A_382 = vector.shape_cast %get3A_381 : vector<1x16xf32> to vector<16xf32>
      %gt3A_383 = arith.cmpf ogt, %get3A_382, %select_n3A_374 : vector<16xf32>
      %ne3A_384 = arith.constant 15 : i32
      %ne3A_385 = vector.broadcast %ne3A_384 : i32 to vector<16xi32>
      %ne3A_386 = arith.cmpi ne, %select_n3A_165, %ne3A_385 : vector<16xi32>
      %and3A_387 = arith.andi %gt3A_383, %ne3A_386 : vector<16xi1>
      %select_n3A_388 = arith.select %and3A_387, %get3A_382, %select_n3A_374 : vector<16xi1>, vector<16xf32>
      %broadcast_in_dim3A_389 = arith.constant 15 : i32
      %broadcast_in_dim3A_390 = vector.broadcast %broadcast_in_dim3A_389 : i32 to vector<16xi32>
      %select_n3A_391 = arith.select %and3A_387, %broadcast_in_dim3A_390, %select_n3A_377 : vector<16xi1>, vector<16xi32>
      %broadcast_in_dim3A_392 = arith.constant 1 : i32
      %broadcast_in_dim3A_393 = vector.broadcast %broadcast_in_dim3A_392 : i32 to vector<16xi32>
      %broadcast_in_dim3A_394 = arith.constant 0 : i32
      %broadcast_in_dim3A_395 = vector.broadcast %broadcast_in_dim3A_394 : i32 to vector<16xi32>
      %eq3A = arith.constant 0 : i32
      %eq3A_396 = vector.broadcast %eq3A : i32 to vector<16xi32>
      %eq3A_397 = arith.cmpi eq, %select_n3A_165, %eq3A_396 : vector<16xi32>
      %select_n3A_398 = arith.select %eq3A_397, %broadcast_in_dim3A_393, %broadcast_in_dim3A_395 : vector<16xi1>, vector<16xi32>
      %swap3A = arith.constant 0 : i32
      %swap3A_399 = arith.constant 0 : i32
      %swap3A_400 = arith.index_cast %swap3A : i32 to index
      %swap3A_401 = arith.index_cast %swap3A_399 : i32 to index
      %swap3A_402 = arith.index_cast %mul3A_12 : i32 to index
      %swap3A_403 = tpu.vector_load %arg5[%swap3A_400, %swap3A_401, %swap3A_402] {strides = array<i32>} : memref<16x2x256xi32, #tpu.memory_space<vmem>>, vector<1x1x16xi32>,
      %swap3A_404 = vector.shape_cast %swap3A_403 : vector<1x1x16xi32> to vector<16xi32>
      %swap3A_405 = vector.shape_cast %select_n3A_398 : vector<16xi32> to vector<1x1x16xi32>
      tpu.vector_store %arg5[%swap3A_400, %swap3A_401, %swap3A_402], %swap3A_405 {strides = array<i32>} : memref<16x2x256xi32, #tpu.memory_space<vmem>>, vector<1x1x16xi32>,
      %eq3A_406 = arith.constant 0 : i32
      %eq3A_407 = vector.broadcast %eq3A_406 : i32 to vector<16xi32>
      %eq3A_408 = arith.cmpi eq, %select_n3A_391, %eq3A_407 : vector<16xi32>
      %select_n3A_409 = arith.select %eq3A_408, %broadcast_in_dim3A_393, %broadcast_in_dim3A_395 : vector<16xi1>, vector<16xi32>
      %swap3A_410 = arith.constant 0 : i32
      %swap3A_411 = arith.constant 1 : i32
      %swap3A_412 = arith.index_cast %swap3A_410 : i32 to index
      %swap3A_413 = arith.index_cast %swap3A_411 : i32 to index
      %swap3A_414 = arith.index_cast %mul3A_12 : i32 to index
      %swap3A_415 = tpu.vector_load %arg5[%swap3A_412, %swap3A_413, %swap3A_414] {strides = array<i32>} : memref<16x2x256xi32, #tpu.memory_space<vmem>>, vector<1x1x16xi32>,
      %swap3A_416 = vector.shape_cast %swap3A_415 : vector<1x1x16xi32> to vector<16xi32>
      %swap3A_417 = vector.shape_cast %select_n3A_409 : vector<16xi32> to vector<1x1x16xi32>
      tpu.vector_store %arg5[%swap3A_412, %swap3A_413, %swap3A_414], %swap3A_417 {strides = array<i32>} : memref<16x2x256xi32, #tpu.memory_space<vmem>>, vector<1x1x16xi32>,
      %eq3A_418 = arith.constant 1 : i32
      %eq3A_419 = vector.broadcast %eq3A_418 : i32 to vector<16xi32>
      %eq3A_420 = arith.cmpi eq, %select_n3A_165, %eq3A_419 : vector<16xi32>
      %select_n3A_421 = arith.select %eq3A_420, %broadcast_in_dim3A_393, %broadcast_in_dim3A_395 : vector<16xi1>, vector<16xi32>
      %swap3A_422 = arith.constant 1 : i32
      %swap3A_423 = arith.constant 0 : i32
      %swap3A_424 = arith.index_cast %swap3A_422 : i32 to index
      %swap3A_425 = arith.index_cast %swap3A_423 : i32 to index
      %swap3A_426 = arith.index_cast %mul3A_12 : i32 to index
      %swap3A_427 = tpu.vector_load %arg5[%swap3A_424, %swap3A_425, %swap3A_426] {strides = array<i32>} : memref<16x2x256xi32, #tpu.memory_space<vmem>>, vector<1x1x16xi32>,
      %swap3A_428 = vector.shape_cast %swap3A_427 : vector<1x1x16xi32> to vector<16xi32>
      %swap3A_429 = vector.shape_cast %select_n3A_421 : vector<16xi32> to vector<1x1x16xi32>
      tpu.vector_store %arg5[%swap3A_424, %swap3A_425, %swap3A_426], %swap3A_429 {strides = array<i32>} : memref<16x2x256xi32, #tpu.memory_space<vmem>>, vector<1x1x16xi32>,
      %eq3A_430 = arith.constant 1 : i32
      %eq3A_431 = vector.broadcast %eq3A_430 : i32 to vector<16xi32>
      %eq3A_432 = arith.cmpi eq, %select_n3A_391, %eq3A_431 : vector<16xi32>
      %select_n3A_433 = arith.select %eq3A_432, %broadcast_in_dim3A_393, %broadcast_in_dim3A_395 : vector<16xi1>, vector<16xi32>
      %swap3A_434 = arith.constant 1 : i32
      %swap3A_435 = arith.constant 1 : i32
      %swap3A_436 = arith.index_cast %swap3A_434 : i32 to index
      %swap3A_437 = arith.index_cast %swap3A_435 : i32 to index
      %swap3A_438 = arith.index_cast %mul3A_12 : i32 to index
      %swap3A_439 = tpu.vector_load %arg5[%swap3A_436, %swap3A_437, %swap3A_438] {strides = array<i32>} : memref<16x2x256xi32, #tpu.memory_space<vmem>>, vector<1x1x16xi32>,
      %swap3A_440 = vector.shape_cast %swap3A_439 : vector<1x1x16xi32> to vector<16xi32>
      %swap3A_441 = vector.shape_cast %select_n3A_433 : vector<16xi32> to vector<1x1x16xi32>
      tpu.vector_store %arg5[%swap3A_436, %swap3A_437, %swap3A_438], %swap3A_441 {strides = array<i32>} : memref<16x2x256xi32, #tpu.memory_space<vmem>>, vector<1x1x16xi32>,
      %eq3A_442 = arith.constant 2 : i32
      %eq3A_443 = vector.broadcast %eq3A_442 : i32 to vector<16xi32>
      %eq3A_444 = arith.cmpi eq, %select_n3A_165, %eq3A_443 : vector<16xi32>
      %select_n3A_445 = arith.select %eq3A_444, %broadcast_in_dim3A_393, %broadcast_in_dim3A_395 : vector<16xi1>, vector<16xi32>
      %swap3A_446 = arith.constant 2 : i32
      %swap3A_447 = arith.constant 0 : i32
      %swap3A_448 = arith.index_cast %swap3A_446 : i32 to index
      %swap3A_449 = arith.index_cast %swap3A_447 : i32 to index
      %swap3A_450 = arith.index_cast %mul3A_12 : i32 to index
      %swap3A_451 = tpu.vector_load %arg5[%swap3A_448, %swap3A_449, %swap3A_450] {strides = array<i32>} : memref<16x2x256xi32, #tpu.memory_space<vmem>>, vector<1x1x16xi32>,
      %swap3A_452 = vector.shape_cast %swap3A_451 : vector<1x1x16xi32> to vector<16xi32>
      %swap3A_453 = vector.shape_cast %select_n3A_445 : vector<16xi32> to vector<1x1x16xi32>
      tpu.vector_store %arg5[%swap3A_448, %swap3A_449, %swap3A_450], %swap3A_453 {strides = array<i32>} : memref<16x2x256xi32, #tpu.memory_space<vmem>>, vector<1x1x16xi32>,
      %eq3A_454 = arith.constant 2 : i32
      %eq3A_455 = vector.broadcast %eq3A_454 : i32 to vector<16xi32>
      %eq3A_456 = arith.cmpi eq, %select_n3A_391, %eq3A_455 : vector<16xi32>
      %select_n3A_457 = arith.select %eq3A_456, %broadcast_in_dim3A_393, %broadcast_in_dim3A_395 : vector<16xi1>, vector<16xi32>
      %swap3A_458 = arith.constant 2 : i32
      %swap3A_459 = arith.constant 1 : i32
      %swap3A_460 = arith.index_cast %swap3A_458 : i32 to index
      %swap3A_461 = arith.index_cast %swap3A_459 : i32 to index
      %swap3A_462 = arith.index_cast %mul3A_12 : i32 to index
      %swap3A_463 = tpu.vector_load %arg5[%swap3A_460, %swap3A_461, %swap3A_462] {strides = array<i32>} : memref<16x2x256xi32, #tpu.memory_space<vmem>>, vector<1x1x16xi32>,
      %swap3A_464 = vector.shape_cast %swap3A_463 : vector<1x1x16xi32> to vector<16xi32>
      %swap3A_465 = vector.shape_cast %select_n3A_457 : vector<16xi32> to vector<1x1x16xi32>
      tpu.vector_store %arg5[%swap3A_460, %swap3A_461, %swap3A_462], %swap3A_465 {strides = array<i32>} : memref<16x2x256xi32, #tpu.memory_space<vmem>>, vector<1x1x16xi32>,
      %eq3A_466 = arith.constant 3 : i32
      %eq3A_467 = vector.broadcast %eq3A_466 : i32 to vector<16xi32>
      %eq3A_468 = arith.cmpi eq, %select_n3A_165, %eq3A_467 : vector<16xi32>
      %select_n3A_469 = arith.select %eq3A_468, %broadcast_in_dim3A_393, %broadcast_in_dim3A_395 : vector<16xi1>, vector<16xi32>
      %swap3A_470 = arith.constant 3 : i32
      %swap3A_471 = arith.constant 0 : i32
      %swap3A_472 = arith.index_cast %swap3A_470 : i32 to index
      %swap3A_473 = arith.index_cast %swap3A_471 : i32 to index
      %swap3A_474 = arith.index_cast %mul3A_12 : i32 to index
      %swap3A_475 = tpu.vector_load %arg5[%swap3A_472, %swap3A_473, %swap3A_474] {strides = array<i32>} : memref<16x2x256xi32, #tpu.memory_space<vmem>>, vector<1x1x16xi32>,
      %swap3A_476 = vector.shape_cast %swap3A_475 : vector<1x1x16xi32> to vector<16xi32>
      %swap3A_477 = vector.shape_cast %select_n3A_469 : vector<16xi32> to vector<1x1x16xi32>
      tpu.vector_store %arg5[%swap3A_472, %swap3A_473, %swap3A_474], %swap3A_477 {strides = array<i32>} : memref<16x2x256xi32, #tpu.memory_space<vmem>>, vector<1x1x16xi32>,
      %eq3A_478 = arith.constant 3 : i32
      %eq3A_479 = vector.broadcast %eq3A_478 : i32 to vector<16xi32>
      %eq3A_480 = arith.cmpi eq, %select_n3A_391, %eq3A_479 : vector<16xi32>
      %select_n3A_481 = arith.select %eq3A_480, %broadcast_in_dim3A_393, %broadcast_in_dim3A_395 : vector<16xi1>, vector<16xi32>
      %swap3A_482 = arith.constant 3 : i32
      %swap3A_483 = arith.constant 1 : i32
      %swap3A_484 = arith.index_cast %swap3A_482 : i32 to index
      %swap3A_485 = arith.index_cast %swap3A_483 : i32 to index
      %swap3A_486 = arith.index_cast %mul3A_12 : i32 to index
      %swap3A_487 = tpu.vector_load %arg5[%swap3A_484, %swap3A_485, %swap3A_486] {strides = array<i32>} : memref<16x2x256xi32, #tpu.memory_space<vmem>>, vector<1x1x16xi32>,
      %swap3A_488 = vector.shape_cast %swap3A_487 : vector<1x1x16xi32> to vector<16xi32>
      %swap3A_489 = vector.shape_cast %select_n3A_481 : vector<16xi32> to vector<1x1x16xi32>
      tpu.vector_store %arg5[%swap3A_484, %swap3A_485, %swap3A_486], %swap3A_489 {strides = array<i32>} : memref<16x2x256xi32, #tpu.memory_space<vmem>>, vector<1x1x16xi32>,
      %eq3A_490 = arith.constant 4 : i32
      %eq3A_491 = vector.broadcast %eq3A_490 : i32 to vector<16xi32>
      %eq3A_492 = arith.cmpi eq, %select_n3A_165, %eq3A_491 : vector<16xi32>
      %select_n3A_493 = arith.select %eq3A_492, %broadcast_in_dim3A_393, %broadcast_in_dim3A_395 : vector<16xi1>, vector<16xi32>
      %swap3A_494 = arith.constant 4 : i32
      %swap3A_495 = arith.constant 0 : i32
      %swap3A_496 = arith.index_cast %swap3A_494 : i32 to index
      %swap3A_497 = arith.index_cast %swap3A_495 : i32 to index
      %swap3A_498 = arith.index_cast %mul3A_12 : i32 to index
      %swap3A_499 = tpu.vector_load %arg5[%swap3A_496, %swap3A_497, %swap3A_498] {strides = array<i32>} : memref<16x2x256xi32, #tpu.memory_space<vmem>>, vector<1x1x16xi32>,
      %swap3A_500 = vector.shape_cast %swap3A_499 : vector<1x1x16xi32> to vector<16xi32>
      %swap3A_501 = vector.shape_cast %select_n3A_493 : vector<16xi32> to vector<1x1x16xi32>
      tpu.vector_store %arg5[%swap3A_496, %swap3A_497, %swap3A_498], %swap3A_501 {strides = array<i32>} : memref<16x2x256xi32, #tpu.memory_space<vmem>>, vector<1x1x16xi32>,
      %eq3A_502 = arith.constant 4 : i32
      %eq3A_503 = vector.broadcast %eq3A_502 : i32 to vector<16xi32>
      %eq3A_504 = arith.cmpi eq, %select_n3A_391, %eq3A_503 : vector<16xi32>
      %select_n3A_505 = arith.select %eq3A_504, %broadcast_in_dim3A_393, %broadcast_in_dim3A_395 : vector<16xi1>, vector<16xi32>
      %swap3A_506 = arith.constant 4 : i32
      %swap3A_507 = arith.constant 1 : i32
      %swap3A_508 = arith.index_cast %swap3A_506 : i32 to index
      %swap3A_509 = arith.index_cast %swap3A_507 : i32 to index
      %swap3A_510 = arith.index_cast %mul3A_12 : i32 to index
      %swap3A_511 = tpu.vector_load %arg5[%swap3A_508, %swap3A_509, %swap3A_510] {strides = array<i32>} : memref<16x2x256xi32, #tpu.memory_space<vmem>>, vector<1x1x16xi32>,
      %swap3A_512 = vector.shape_cast %swap3A_511 : vector<1x1x16xi32> to vector<16xi32>
      %swap3A_513 = vector.shape_cast %select_n3A_505 : vector<16xi32> to vector<1x1x16xi32>
      tpu.vector_store %arg5[%swap3A_508, %swap3A_509, %swap3A_510], %swap3A_513 {strides = array<i32>} : memref<16x2x256xi32, #tpu.memory_space<vmem>>, vector<1x1x16xi32>,
      %eq3A_514 = arith.constant 5 : i32
      %eq3A_515 = vector.broadcast %eq3A_514 : i32 to vector<16xi32>
      %eq3A_516 = arith.cmpi eq, %select_n3A_165, %eq3A_515 : vector<16xi32>
      %select_n3A_517 = arith.select %eq3A_516, %broadcast_in_dim3A_393, %broadcast_in_dim3A_395 : vector<16xi1>, vector<16xi32>
      %swap3A_518 = arith.constant 5 : i32
      %swap3A_519 = arith.constant 0 : i32
      %swap3A_520 = arith.index_cast %swap3A_518 : i32 to index
      %swap3A_521 = arith.index_cast %swap3A_519 : i32 to index
      %swap3A_522 = arith.index_cast %mul3A_12 : i32 to index
      %swap3A_523 = tpu.vector_load %arg5[%swap3A_520, %swap3A_521, %swap3A_522] {strides = array<i32>} : memref<16x2x256xi32, #tpu.memory_space<vmem>>, vector<1x1x16xi32>,
      %swap3A_524 = vector.shape_cast %swap3A_523 : vector<1x1x16xi32> to vector<16xi32>
      %swap3A_525 = vector.shape_cast %select_n3A_517 : vector<16xi32> to vector<1x1x16xi32>
      tpu.vector_store %arg5[%swap3A_520, %swap3A_521, %swap3A_522], %swap3A_525 {strides = array<i32>} : memref<16x2x256xi32, #tpu.memory_space<vmem>>, vector<1x1x16xi32>,
      %eq3A_526 = arith.constant 5 : i32
      %eq3A_527 = vector.broadcast %eq3A_526 : i32 to vector<16xi32>
      %eq3A_528 = arith.cmpi eq, %select_n3A_391, %eq3A_527 : vector<16xi32>
      %select_n3A_529 = arith.select %eq3A_528, %broadcast_in_dim3A_393, %broadcast_in_dim3A_395 : vector<16xi1>, vector<16xi32>
      %swap3A_530 = arith.constant 5 : i32
      %swap3A_531 = arith.constant 1 : i32
      %swap3A_532 = arith.index_cast %swap3A_530 : i32 to index
      %swap3A_533 = arith.index_cast %swap3A_531 : i32 to index
      %swap3A_534 = arith.index_cast %mul3A_12 : i32 to index
      %swap3A_535 = tpu.vector_load %arg5[%swap3A_532, %swap3A_533, %swap3A_534] {strides = array<i32>} : memref<16x2x256xi32, #tpu.memory_space<vmem>>, vector<1x1x16xi32>,
      %swap3A_536 = vector.shape_cast %swap3A_535 : vector<1x1x16xi32> to vector<16xi32>
      %swap3A_537 = vector.shape_cast %select_n3A_529 : vector<16xi32> to vector<1x1x16xi32>
      tpu.vector_store %arg5[%swap3A_532, %swap3A_533, %swap3A_534], %swap3A_537 {strides = array<i32>} : memref<16x2x256xi32, #tpu.memory_space<vmem>>, vector<1x1x16xi32>,
      %eq3A_538 = arith.constant 6 : i32
      %eq3A_539 = vector.broadcast %eq3A_538 : i32 to vector<16xi32>
      %eq3A_540 = arith.cmpi eq, %select_n3A_165, %eq3A_539 : vector<16xi32>
      %select_n3A_541 = arith.select %eq3A_540, %broadcast_in_dim3A_393, %broadcast_in_dim3A_395 : vector<16xi1>, vector<16xi32>
      %swap3A_542 = arith.constant 6 : i32
      %swap3A_543 = arith.constant 0 : i32
      %swap3A_544 = arith.index_cast %swap3A_542 : i32 to index
      %swap3A_545 = arith.index_cast %swap3A_543 : i32 to index
      %swap3A_546 = arith.index_cast %mul3A_12 : i32 to index
      %swap3A_547 = tpu.vector_load %arg5[%swap3A_544, %swap3A_545, %swap3A_546] {strides = array<i32>} : memref<16x2x256xi32, #tpu.memory_space<vmem>>, vector<1x1x16xi32>,
      %swap3A_548 = vector.shape_cast %swap3A_547 : vector<1x1x16xi32> to vector<16xi32>
      %swap3A_549 = vector.shape_cast %select_n3A_541 : vector<16xi32> to vector<1x1x16xi32>
      tpu.vector_store %arg5[%swap3A_544, %swap3A_545, %swap3A_546], %swap3A_549 {strides = array<i32>} : memref<16x2x256xi32, #tpu.memory_space<vmem>>, vector<1x1x16xi32>,
      %eq3A_550 = arith.constant 6 : i32
      %eq3A_551 = vector.broadcast %eq3A_550 : i32 to vector<16xi32>
      %eq3A_552 = arith.cmpi eq, %select_n3A_391, %eq3A_551 : vector<16xi32>
      %select_n3A_553 = arith.select %eq3A_552, %broadcast_in_dim3A_393, %broadcast_in_dim3A_395 : vector<16xi1>, vector<16xi32>
      %swap3A_554 = arith.constant 6 : i32
      %swap3A_555 = arith.constant 1 : i32
      %swap3A_556 = arith.index_cast %swap3A_554 : i32 to index
      %swap3A_557 = arith.index_cast %swap3A_555 : i32 to index
      %swap3A_558 = arith.index_cast %mul3A_12 : i32 to index
      %swap3A_559 = tpu.vector_load %arg5[%swap3A_556, %swap3A_557, %swap3A_558] {strides = array<i32>} : memref<16x2x256xi32, #tpu.memory_space<vmem>>, vector<1x1x16xi32>,
      %swap3A_560 = vector.shape_cast %swap3A_559 : vector<1x1x16xi32> to vector<16xi32>
      %swap3A_561 = vector.shape_cast %select_n3A_553 : vector<16xi32> to vector<1x1x16xi32>
      tpu.vector_store %arg5[%swap3A_556, %swap3A_557, %swap3A_558], %swap3A_561 {strides = array<i32>} : memref<16x2x256xi32, #tpu.memory_space<vmem>>, vector<1x1x16xi32>,
      %eq3A_562 = arith.constant 7 : i32
      %eq3A_563 = vector.broadcast %eq3A_562 : i32 to vector<16xi32>
      %eq3A_564 = arith.cmpi eq, %select_n3A_165, %eq3A_563 : vector<16xi32>
      %select_n3A_565 = arith.select %eq3A_564, %broadcast_in_dim3A_393, %broadcast_in_dim3A_395 : vector<16xi1>, vector<16xi32>
      %swap3A_566 = arith.constant 7 : i32
      %swap3A_567 = arith.constant 0 : i32
      %swap3A_568 = arith.index_cast %swap3A_566 : i32 to index
      %swap3A_569 = arith.index_cast %swap3A_567 : i32 to index
      %swap3A_570 = arith.index_cast %mul3A_12 : i32 to index
      %swap3A_571 = tpu.vector_load %arg5[%swap3A_568, %swap3A_569, %swap3A_570] {strides = array<i32>} : memref<16x2x256xi32, #tpu.memory_space<vmem>>, vector<1x1x16xi32>,
      %swap3A_572 = vector.shape_cast %swap3A_571 : vector<1x1x16xi32> to vector<16xi32>
      %swap3A_573 = vector.shape_cast %select_n3A_565 : vector<16xi32> to vector<1x1x16xi32>
      tpu.vector_store %arg5[%swap3A_568, %swap3A_569, %swap3A_570], %swap3A_573 {strides = array<i32>} : memref<16x2x256xi32, #tpu.memory_space<vmem>>, vector<1x1x16xi32>,
      %eq3A_574 = arith.constant 7 : i32
      %eq3A_575 = vector.broadcast %eq3A_574 : i32 to vector<16xi32>
      %eq3A_576 = arith.cmpi eq, %select_n3A_391, %eq3A_575 : vector<16xi32>
      %select_n3A_577 = arith.select %eq3A_576, %broadcast_in_dim3A_393, %broadcast_in_dim3A_395 : vector<16xi1>, vector<16xi32>
      %swap3A_578 = arith.constant 7 : i32
      %swap3A_579 = arith.constant 1 : i32
      %swap3A_580 = arith.index_cast %swap3A_578 : i32 to index
      %swap3A_581 = arith.index_cast %swap3A_579 : i32 to index
      %swap3A_582 = arith.index_cast %mul3A_12 : i32 to index
      %swap3A_583 = tpu.vector_load %arg5[%swap3A_580, %swap3A_581, %swap3A_582] {strides = array<i32>} : memref<16x2x256xi32, #tpu.memory_space<vmem>>, vector<1x1x16xi32>,
      %swap3A_584 = vector.shape_cast %swap3A_583 : vector<1x1x16xi32> to vector<16xi32>
      %swap3A_585 = vector.shape_cast %select_n3A_577 : vector<16xi32> to vector<1x1x16xi32>
      tpu.vector_store %arg5[%swap3A_580, %swap3A_581, %swap3A_582], %swap3A_585 {strides = array<i32>} : memref<16x2x256xi32, #tpu.memory_space<vmem>>, vector<1x1x16xi32>,
      %eq3A_586 = arith.constant 8 : i32
      %eq3A_587 = vector.broadcast %eq3A_586 : i32 to vector<16xi32>
      %eq3A_588 = arith.cmpi eq, %select_n3A_165, %eq3A_587 : vector<16xi32>
      %select_n3A_589 = arith.select %eq3A_588, %broadcast_in_dim3A_393, %broadcast_in_dim3A_395 : vector<16xi1>, vector<16xi32>
      %swap3A_590 = arith.constant 8 : i32
      %swap3A_591 = arith.constant 0 : i32
      %swap3A_592 = arith.index_cast %swap3A_590 : i32 to index
      %swap3A_593 = arith.index_cast %swap3A_591 : i32 to index
      %swap3A_594 = arith.index_cast %mul3A_12 : i32 to index
      %swap3A_595 = tpu.vector_load %arg5[%swap3A_592, %swap3A_593, %swap3A_594] {strides = array<i32>} : memref<16x2x256xi32, #tpu.memory_space<vmem>>, vector<1x1x16xi32>,
      %swap3A_596 = vector.shape_cast %swap3A_595 : vector<1x1x16xi32> to vector<16xi32>
      %swap3A_597 = vector.shape_cast %select_n3A_589 : vector<16xi32> to vector<1x1x16xi32>
      tpu.vector_store %arg5[%swap3A_592, %swap3A_593, %swap3A_594], %swap3A_597 {strides = array<i32>} : memref<16x2x256xi32, #tpu.memory_space<vmem>>, vector<1x1x16xi32>,
      %eq3A_598 = arith.constant 8 : i32
      %eq3A_599 = vector.broadcast %eq3A_598 : i32 to vector<16xi32>
      %eq3A_600 = arith.cmpi eq, %select_n3A_391, %eq3A_599 : vector<16xi32>
      %select_n3A_601 = arith.select %eq3A_600, %broadcast_in_dim3A_393, %broadcast_in_dim3A_395 : vector<16xi1>, vector<16xi32>
      %swap3A_602 = arith.constant 8 : i32
      %swap3A_603 = arith.constant 1 : i32
      %swap3A_604 = arith.index_cast %swap3A_602 : i32 to index
      %swap3A_605 = arith.index_cast %swap3A_603 : i32 to index
      %swap3A_606 = arith.index_cast %mul3A_12 : i32 to index
      %swap3A_607 = tpu.vector_load %arg5[%swap3A_604, %swap3A_605, %swap3A_606] {strides = array<i32>} : memref<16x2x256xi32, #tpu.memory_space<vmem>>, vector<1x1x16xi32>,
      %swap3A_608 = vector.shape_cast %swap3A_607 : vector<1x1x16xi32> to vector<16xi32>
      %swap3A_609 = vector.shape_cast %select_n3A_601 : vector<16xi32> to vector<1x1x16xi32>
      tpu.vector_store %arg5[%swap3A_604, %swap3A_605, %swap3A_606], %swap3A_609 {strides = array<i32>} : memref<16x2x256xi32, #tpu.memory_space<vmem>>, vector<1x1x16xi32>,
      %eq3A_610 = arith.constant 9 : i32
      %eq3A_611 = vector.broadcast %eq3A_610 : i32 to vector<16xi32>
      %eq3A_612 = arith.cmpi eq, %select_n3A_165, %eq3A_611 : vector<16xi32>
      %select_n3A_613 = arith.select %eq3A_612, %broadcast_in_dim3A_393, %broadcast_in_dim3A_395 : vector<16xi1>, vector<16xi32>
      %swap3A_614 = arith.constant 9 : i32
      %swap3A_615 = arith.constant 0 : i32
      %swap3A_616 = arith.index_cast %swap3A_614 : i32 to index
      %swap3A_617 = arith.index_cast %swap3A_615 : i32 to index
      %swap3A_618 = arith.index_cast %mul3A_12 : i32 to index
      %swap3A_619 = tpu.vector_load %arg5[%swap3A_616, %swap3A_617, %swap3A_618] {strides = array<i32>} : memref<16x2x256xi32, #tpu.memory_space<vmem>>, vector<1x1x16xi32>,
      %swap3A_620 = vector.shape_cast %swap3A_619 : vector<1x1x16xi32> to vector<16xi32>
      %swap3A_621 = vector.shape_cast %select_n3A_613 : vector<16xi32> to vector<1x1x16xi32>
      tpu.vector_store %arg5[%swap3A_616, %swap3A_617, %swap3A_618], %swap3A_621 {strides = array<i32>} : memref<16x2x256xi32, #tpu.memory_space<vmem>>, vector<1x1x16xi32>,
      %eq3A_622 = arith.constant 9 : i32
      %eq3A_623 = vector.broadcast %eq3A_622 : i32 to vector<16xi32>
      %eq3A_624 = arith.cmpi eq, %select_n3A_391, %eq3A_623 : vector<16xi32>
      %select_n3A_625 = arith.select %eq3A_624, %broadcast_in_dim3A_393, %broadcast_in_dim3A_395 : vector<16xi1>, vector<16xi32>
      %swap3A_626 = arith.constant 9 : i32
      %swap3A_627 = arith.constant 1 : i32
      %swap3A_628 = arith.index_cast %swap3A_626 : i32 to index
      %swap3A_629 = arith.index_cast %swap3A_627 : i32 to index
      %swap3A_630 = arith.index_cast %mul3A_12 : i32 to index
      %swap3A_631 = tpu.vector_load %arg5[%swap3A_628, %swap3A_629, %swap3A_630] {strides = array<i32>} : memref<16x2x256xi32, #tpu.memory_space<vmem>>, vector<1x1x16xi32>,
      %swap3A_632 = vector.shape_cast %swap3A_631 : vector<1x1x16xi32> to vector<16xi32>
      %swap3A_633 = vector.shape_cast %select_n3A_625 : vector<16xi32> to vector<1x1x16xi32>
      tpu.vector_store %arg5[%swap3A_628, %swap3A_629, %swap3A_630], %swap3A_633 {strides = array<i32>} : memref<16x2x256xi32, #tpu.memory_space<vmem>>, vector<1x1x16xi32>,
      %eq3A_634 = arith.constant 10 : i32
      %eq3A_635 = vector.broadcast %eq3A_634 : i32 to vector<16xi32>
      %eq3A_636 = arith.cmpi eq, %select_n3A_165, %eq3A_635 : vector<16xi32>
      %select_n3A_637 = arith.select %eq3A_636, %broadcast_in_dim3A_393, %broadcast_in_dim3A_395 : vector<16xi1>, vector<16xi32>
      %swap3A_638 = arith.constant 10 : i32
      %swap3A_639 = arith.constant 0 : i32
      %swap3A_640 = arith.index_cast %swap3A_638 : i32 to index
      %swap3A_641 = arith.index_cast %swap3A_639 : i32 to index
      %swap3A_642 = arith.index_cast %mul3A_12 : i32 to index
      %swap3A_643 = tpu.vector_load %arg5[%swap3A_640, %swap3A_641, %swap3A_642] {strides = array<i32>} : memref<16x2x256xi32, #tpu.memory_space<vmem>>, vector<1x1x16xi32>,
      %swap3A_644 = vector.shape_cast %swap3A_643 : vector<1x1x16xi32> to vector<16xi32>
      %swap3A_645 = vector.shape_cast %select_n3A_637 : vector<16xi32> to vector<1x1x16xi32>
      tpu.vector_store %arg5[%swap3A_640, %swap3A_641, %swap3A_642], %swap3A_645 {strides = array<i32>} : memref<16x2x256xi32, #tpu.memory_space<vmem>>, vector<1x1x16xi32>,
      %eq3A_646 = arith.constant 10 : i32
      %eq3A_647 = vector.broadcast %eq3A_646 : i32 to vector<16xi32>
      %eq3A_648 = arith.cmpi eq, %select_n3A_391, %eq3A_647 : vector<16xi32>
      %select_n3A_649 = arith.select %eq3A_648, %broadcast_in_dim3A_393, %broadcast_in_dim3A_395 : vector<16xi1>, vector<16xi32>
      %swap3A_650 = arith.constant 10 : i32
      %swap3A_651 = arith.constant 1 : i32
      %swap3A_652 = arith.index_cast %swap3A_650 : i32 to index
      %swap3A_653 = arith.index_cast %swap3A_651 : i32 to index
      %swap3A_654 = arith.index_cast %mul3A_12 : i32 to index
      %swap3A_655 = tpu.vector_load %arg5[%swap3A_652, %swap3A_653, %swap3A_654] {strides = array<i32>} : memref<16x2x256xi32, #tpu.memory_space<vmem>>, vector<1x1x16xi32>,
      %swap3A_656 = vector.shape_cast %swap3A_655 : vector<1x1x16xi32> to vector<16xi32>
      %swap3A_657 = vector.shape_cast %select_n3A_649 : vector<16xi32> to vector<1x1x16xi32>
      tpu.vector_store %arg5[%swap3A_652, %swap3A_653, %swap3A_654], %swap3A_657 {strides = array<i32>} : memref<16x2x256xi32, #tpu.memory_space<vmem>>, vector<1x1x16xi32>,
      %eq3A_658 = arith.constant 11 : i32
      %eq3A_659 = vector.broadcast %eq3A_658 : i32 to vector<16xi32>
      %eq3A_660 = arith.cmpi eq, %select_n3A_165, %eq3A_659 : vector<16xi32>
      %select_n3A_661 = arith.select %eq3A_660, %broadcast_in_dim3A_393, %broadcast_in_dim3A_395 : vector<16xi1>, vector<16xi32>
      %swap3A_662 = arith.constant 11 : i32
      %swap3A_663 = arith.constant 0 : i32
      %swap3A_664 = arith.index_cast %swap3A_662 : i32 to index
      %swap3A_665 = arith.index_cast %swap3A_663 : i32 to index
      %swap3A_666 = arith.index_cast %mul3A_12 : i32 to index
      %swap3A_667 = tpu.vector_load %arg5[%swap3A_664, %swap3A_665, %swap3A_666] {strides = array<i32>} : memref<16x2x256xi32, #tpu.memory_space<vmem>>, vector<1x1x16xi32>,
      %swap3A_668 = vector.shape_cast %swap3A_667 : vector<1x1x16xi32> to vector<16xi32>
      %swap3A_669 = vector.shape_cast %select_n3A_661 : vector<16xi32> to vector<1x1x16xi32>
      tpu.vector_store %arg5[%swap3A_664, %swap3A_665, %swap3A_666], %swap3A_669 {strides = array<i32>} : memref<16x2x256xi32, #tpu.memory_space<vmem>>, vector<1x1x16xi32>,
      %eq3A_670 = arith.constant 11 : i32
      %eq3A_671 = vector.broadcast %eq3A_670 : i32 to vector<16xi32>
      %eq3A_672 = arith.cmpi eq, %select_n3A_391, %eq3A_671 : vector<16xi32>
      %select_n3A_673 = arith.select %eq3A_672, %broadcast_in_dim3A_393, %broadcast_in_dim3A_395 : vector<16xi1>, vector<16xi32>
      %swap3A_674 = arith.constant 11 : i32
      %swap3A_675 = arith.constant 1 : i32
      %swap3A_676 = arith.index_cast %swap3A_674 : i32 to index
      %swap3A_677 = arith.index_cast %swap3A_675 : i32 to index
      %swap3A_678 = arith.index_cast %mul3A_12 : i32 to index
      %swap3A_679 = tpu.vector_load %arg5[%swap3A_676, %swap3A_677, %swap3A_678] {strides = array<i32>} : memref<16x2x256xi32, #tpu.memory_space<vmem>>, vector<1x1x16xi32>,
      %swap3A_680 = vector.shape_cast %swap3A_679 : vector<1x1x16xi32> to vector<16xi32>
      %swap3A_681 = vector.shape_cast %select_n3A_673 : vector<16xi32> to vector<1x1x16xi32>
      tpu.vector_store %arg5[%swap3A_676, %swap3A_677, %swap3A_678], %swap3A_681 {strides = array<i32>} : memref<16x2x256xi32, #tpu.memory_space<vmem>>, vector<1x1x16xi32>,
      %eq3A_682 = arith.constant 12 : i32
      %eq3A_683 = vector.broadcast %eq3A_682 : i32 to vector<16xi32>
      %eq3A_684 = arith.cmpi eq, %select_n3A_165, %eq3A_683 : vector<16xi32>
      %select_n3A_685 = arith.select %eq3A_684, %broadcast_in_dim3A_393, %broadcast_in_dim3A_395 : vector<16xi1>, vector<16xi32>
      %swap3A_686 = arith.constant 12 : i32
      %swap3A_687 = arith.constant 0 : i32
      %swap3A_688 = arith.index_cast %swap3A_686 : i32 to index
      %swap3A_689 = arith.index_cast %swap3A_687 : i32 to index
      %swap3A_690 = arith.index_cast %mul3A_12 : i32 to index
      %swap3A_691 = tpu.vector_load %arg5[%swap3A_688, %swap3A_689, %swap3A_690] {strides = array<i32>} : memref<16x2x256xi32, #tpu.memory_space<vmem>>, vector<1x1x16xi32>,
      %swap3A_692 = vector.shape_cast %swap3A_691 : vector<1x1x16xi32> to vector<16xi32>
      %swap3A_693 = vector.shape_cast %select_n3A_685 : vector<16xi32> to vector<1x1x16xi32>
      tpu.vector_store %arg5[%swap3A_688, %swap3A_689, %swap3A_690], %swap3A_693 {strides = array<i32>} : memref<16x2x256xi32, #tpu.memory_space<vmem>>, vector<1x1x16xi32>,
      %eq3A_694 = arith.constant 12 : i32
      %eq3A_695 = vector.broadcast %eq3A_694 : i32 to vector<16xi32>
      %eq3A_696 = arith.cmpi eq, %select_n3A_391, %eq3A_695 : vector<16xi32>
      %select_n3A_697 = arith.select %eq3A_696, %broadcast_in_dim3A_393, %broadcast_in_dim3A_395 : vector<16xi1>, vector<16xi32>
      %swap3A_698 = arith.constant 12 : i32
      %swap3A_699 = arith.constant 1 : i32
      %swap3A_700 = arith.index_cast %swap3A_698 : i32 to index
      %swap3A_701 = arith.index_cast %swap3A_699 : i32 to index
      %swap3A_702 = arith.index_cast %mul3A_12 : i32 to index
      %swap3A_703 = tpu.vector_load %arg5[%swap3A_700, %swap3A_701, %swap3A_702] {strides = array<i32>} : memref<16x2x256xi32, #tpu.memory_space<vmem>>, vector<1x1x16xi32>,
      %swap3A_704 = vector.shape_cast %swap3A_703 : vector<1x1x16xi32> to vector<16xi32>
      %swap3A_705 = vector.shape_cast %select_n3A_697 : vector<16xi32> to vector<1x1x16xi32>
      tpu.vector_store %arg5[%swap3A_700, %swap3A_701, %swap3A_702], %swap3A_705 {strides = array<i32>} : memref<16x2x256xi32, #tpu.memory_space<vmem>>, vector<1x1x16xi32>,
      %eq3A_706 = arith.constant 13 : i32
      %eq3A_707 = vector.broadcast %eq3A_706 : i32 to vector<16xi32>
      %eq3A_708 = arith.cmpi eq, %select_n3A_165, %eq3A_707 : vector<16xi32>
      %select_n3A_709 = arith.select %eq3A_708, %broadcast_in_dim3A_393, %broadcast_in_dim3A_395 : vector<16xi1>, vector<16xi32>
      %swap3A_710 = arith.constant 13 : i32
      %swap3A_711 = arith.constant 0 : i32
      %swap3A_712 = arith.index_cast %swap3A_710 : i32 to index
      %swap3A_713 = arith.index_cast %swap3A_711 : i32 to index
      %swap3A_714 = arith.index_cast %mul3A_12 : i32 to index
      %swap3A_715 = tpu.vector_load %arg5[%swap3A_712, %swap3A_713, %swap3A_714] {strides = array<i32>} : memref<16x2x256xi32, #tpu.memory_space<vmem>>, vector<1x1x16xi32>,
      %swap3A_716 = vector.shape_cast %swap3A_715 : vector<1x1x16xi32> to vector<16xi32>
      %swap3A_717 = vector.shape_cast %select_n3A_709 : vector<16xi32> to vector<1x1x16xi32>
      tpu.vector_store %arg5[%swap3A_712, %swap3A_713, %swap3A_714], %swap3A_717 {strides = array<i32>} : memref<16x2x256xi32, #tpu.memory_space<vmem>>, vector<1x1x16xi32>,
      %eq3A_718 = arith.constant 13 : i32
      %eq3A_719 = vector.broadcast %eq3A_718 : i32 to vector<16xi32>
      %eq3A_720 = arith.cmpi eq, %select_n3A_391, %eq3A_719 : vector<16xi32>
      %select_n3A_721 = arith.select %eq3A_720, %broadcast_in_dim3A_393, %broadcast_in_dim3A_395 : vector<16xi1>, vector<16xi32>
      %swap3A_722 = arith.constant 13 : i32
      %swap3A_723 = arith.constant 1 : i32
      %swap3A_724 = arith.index_cast %swap3A_722 : i32 to index
      %swap3A_725 = arith.index_cast %swap3A_723 : i32 to index
      %swap3A_726 = arith.index_cast %mul3A_12 : i32 to index
      %swap3A_727 = tpu.vector_load %arg5[%swap3A_724, %swap3A_725, %swap3A_726] {strides = array<i32>} : memref<16x2x256xi32, #tpu.memory_space<vmem>>, vector<1x1x16xi32>,
      %swap3A_728 = vector.shape_cast %swap3A_727 : vector<1x1x16xi32> to vector<16xi32>
      %swap3A_729 = vector.shape_cast %select_n3A_721 : vector<16xi32> to vector<1x1x16xi32>
      tpu.vector_store %arg5[%swap3A_724, %swap3A_725, %swap3A_726], %swap3A_729 {strides = array<i32>} : memref<16x2x256xi32, #tpu.memory_space<vmem>>, vector<1x1x16xi32>,
      %eq3A_730 = arith.constant 14 : i32
      %eq3A_731 = vector.broadcast %eq3A_730 : i32 to vector<16xi32>
      %eq3A_732 = arith.cmpi eq, %select_n3A_165, %eq3A_731 : vector<16xi32>
      %select_n3A_733 = arith.select %eq3A_732, %broadcast_in_dim3A_393, %broadcast_in_dim3A_395 : vector<16xi1>, vector<16xi32>
      %swap3A_734 = arith.constant 14 : i32
      %swap3A_735 = arith.constant 0 : i32
      %swap3A_736 = arith.index_cast %swap3A_734 : i32 to index
      %swap3A_737 = arith.index_cast %swap3A_735 : i32 to index
      %swap3A_738 = arith.index_cast %mul3A_12 : i32 to index
      %swap3A_739 = tpu.vector_load %arg5[%swap3A_736, %swap3A_737, %swap3A_738] {strides = array<i32>} : memref<16x2x256xi32, #tpu.memory_space<vmem>>, vector<1x1x16xi32>,
      %swap3A_740 = vector.shape_cast %swap3A_739 : vector<1x1x16xi32> to vector<16xi32>
      %swap3A_741 = vector.shape_cast %select_n3A_733 : vector<16xi32> to vector<1x1x16xi32>
      tpu.vector_store %arg5[%swap3A_736, %swap3A_737, %swap3A_738], %swap3A_741 {strides = array<i32>} : memref<16x2x256xi32, #tpu.memory_space<vmem>>, vector<1x1x16xi32>,
      %eq3A_742 = arith.constant 14 : i32
      %eq3A_743 = vector.broadcast %eq3A_742 : i32 to vector<16xi32>
      %eq3A_744 = arith.cmpi eq, %select_n3A_391, %eq3A_743 : vector<16xi32>
      %select_n3A_745 = arith.select %eq3A_744, %broadcast_in_dim3A_393, %broadcast_in_dim3A_395 : vector<16xi1>, vector<16xi32>
      %swap3A_746 = arith.constant 14 : i32
      %swap3A_747 = arith.constant 1 : i32
      %swap3A_748 = arith.index_cast %swap3A_746 : i32 to index
      %swap3A_749 = arith.index_cast %swap3A_747 : i32 to index
      %swap3A_750 = arith.index_cast %mul3A_12 : i32 to index
      %swap3A_751 = tpu.vector_load %arg5[%swap3A_748, %swap3A_749, %swap3A_750] {strides = array<i32>} : memref<16x2x256xi32, #tpu.memory_space<vmem>>, vector<1x1x16xi32>,
      %swap3A_752 = vector.shape_cast %swap3A_751 : vector<1x1x16xi32> to vector<16xi32>
      %swap3A_753 = vector.shape_cast %select_n3A_745 : vector<16xi32> to vector<1x1x16xi32>
      tpu.vector_store %arg5[%swap3A_748, %swap3A_749, %swap3A_750], %swap3A_753 {strides = array<i32>} : memref<16x2x256xi32, #tpu.memory_space<vmem>>, vector<1x1x16xi32>,
      %eq3A_754 = arith.constant 15 : i32
      %eq3A_755 = vector.broadcast %eq3A_754 : i32 to vector<16xi32>
      %eq3A_756 = arith.cmpi eq, %select_n3A_165, %eq3A_755 : vector<16xi32>
      %select_n3A_757 = arith.select %eq3A_756, %broadcast_in_dim3A_393, %broadcast_in_dim3A_395 : vector<16xi1>, vector<16xi32>
      %swap3A_758 = arith.constant 15 : i32
      %swap3A_759 = arith.constant 0 : i32
      %swap3A_760 = arith.index_cast %swap3A_758 : i32 to index
      %swap3A_761 = arith.index_cast %swap3A_759 : i32 to index
      %swap3A_762 = arith.index_cast %mul3A_12 : i32 to index
      %swap3A_763 = tpu.vector_load %arg5[%swap3A_760, %swap3A_761, %swap3A_762] {strides = array<i32>} : memref<16x2x256xi32, #tpu.memory_space<vmem>>, vector<1x1x16xi32>,
      %swap3A_764 = vector.shape_cast %swap3A_763 : vector<1x1x16xi32> to vector<16xi32>
      %swap3A_765 = vector.shape_cast %select_n3A_757 : vector<16xi32> to vector<1x1x16xi32>
      tpu.vector_store %arg5[%swap3A_760, %swap3A_761, %swap3A_762], %swap3A_765 {strides = array<i32>} : memref<16x2x256xi32, #tpu.memory_space<vmem>>, vector<1x1x16xi32>,
      %eq3A_766 = arith.constant 15 : i32
      %eq3A_767 = vector.broadcast %eq3A_766 : i32 to vector<16xi32>
      %eq3A_768 = arith.cmpi eq, %select_n3A_391, %eq3A_767 : vector<16xi32>
      %select_n3A_769 = arith.select %eq3A_768, %broadcast_in_dim3A_393, %broadcast_in_dim3A_395 : vector<16xi1>, vector<16xi32>
      %swap3A_770 = arith.constant 15 : i32
      %swap3A_771 = arith.constant 1 : i32
      %swap3A_772 = arith.index_cast %swap3A_770 : i32 to index
      %swap3A_773 = arith.index_cast %swap3A_771 : i32 to index
      %swap3A_774 = arith.index_cast %mul3A_12 : i32 to index
      %swap3A_775 = tpu.vector_load %arg5[%swap3A_772, %swap3A_773, %swap3A_774] {strides = array<i32>} : memref<16x2x256xi32, #tpu.memory_space<vmem>>, vector<1x1x16xi32>,
      %swap3A_776 = vector.shape_cast %swap3A_775 : vector<1x1x16xi32> to vector<16xi32>
      %swap3A_777 = vector.shape_cast %select_n3A_769 : vector<16xi32> to vector<1x1x16xi32>
      tpu.vector_store %arg5[%swap3A_772, %swap3A_773, %swap3A_774], %swap3A_777 {strides = array<i32>} : memref<16x2x256xi32, #tpu.memory_space<vmem>>, vector<1x1x16xi32>,
      %scan3A_778 = arith.constant 0 : i32
      scf.yield %scan3A_778 : i32
    }
    %scan3A_8 = arith.constant 16 : i32
    "tpu.region"() ({
      %run_scoped3A = tpu.sem_alloc : memref<!tpu.dma_semaphore, #tpu.memory_space<semaphore_mem>>
      %dma_start3A = arith.constant 0 : i32
      %dma_start3A_9 = arith.constant 0 : i32
      %dma_start3A_10 = tpu.memref_slice %arg3[%dma_start3A, %dma_start3A_9, %mul3A_2] : memref<16x2x8192xi32, #tpu.memory_space<hbm>> -> memref<16x2x256xi32, #tpu.memory_space<hbm>>
      %dma_start3A_11 = arith.constant 0 : i32
      %dma_start3A_12 = arith.constant 0 : i32
      %dma_start3A_13 = tpu.memref_slice %arg3[%dma_start3A_11, %dma_start3A_12, %mul3A_2] : memref<16x2x8192xi32, #tpu.memory_space<hbm>> -> memref<16x2x256xi32, #tpu.memory_space<hbm>>
      tpu.enqueue_dma source(%arg5 : memref<16x2x256xi32, #tpu.memory_space<vmem>>) target(%dma_start3A_13 : memref<16x2x256xi32, #tpu.memory_space<hbm>>) target_semaphore(%run_scoped3A : memref<!tpu.dma_semaphore, #tpu.memory_space<semaphore_mem>>)
      %dma_wait3A = arith.constant 0 : i32
      %dma_wait3A_14 = arith.constant 0 : i32
      %dma_wait3A_15 = tpu.memref_slice %arg3[%dma_wait3A, %dma_wait3A_14, %mul3A_2] : memref<16x2x8192xi32, #tpu.memory_space<hbm>> -> memref<16x2x256xi32, #tpu.memory_space<hbm>>
      %dma_wait3A_16 = arith.constant 0 : i32
      %dma_wait3A_17 = arith.constant 0 : i32
      %dma_wait3A_18 = tpu.memref_slice %arg3[%dma_wait3A_16, %dma_wait3A_17, %mul3A_2] : memref<16x2x8192xi32, #tpu.memory_space<hbm>> -> memref<16x2x256xi32, #tpu.memory_space<hbm>>
      tpu.wait_dma2 semaphore(%run_scoped3A : memref<!tpu.dma_semaphore, #tpu.memory_space<semaphore_mem>>) src(%arg5 : memref<16x2x256xi32, #tpu.memory_space<vmem>>) dst(%dma_wait3A_18 : memref<16x2x256xi32, #tpu.memory_space<hbm>>)
      tpu.yield
    }) : () -> ()
    return
  }
}

module attributes {stable_mosaic.version = 14 : i64} {
  func.func @_tc_matmul_body(%arg0: i32, %arg1: memref<512x4096xf32, #tpu.memory_space<vmem>>, %arg2: memref<16x4096xf32, #tpu.memory_space<vmem>>, %arg3: memref<16x512xf32, #tpu.memory_space<vmem>>) attributes {dimension_semantics = [#tpu.dimension_semantics<arbitrary>], iteration_bounds = array<i64: 16>, scalar_prefetch = 0 : i64, scratch_operands = 0 : i64, tpu.core_type = #tpu.core_type<tc>, window_params = [{transform_indices = @transform_0, window_bounds = array<i64: 512, 4096>}, {pipeline_mode = #tpu.pipeline_mode<synchronous>, transform_indices = @transform_1, window_bounds = array<i64: 16, 4096>}, {transform_indices = @transform_2, window_bounds = array<i64: 16, 512>}]} {
    %get3A = arith.constant 0 : index
    %get3A_0 = arith.constant 0 : index
    %get3A_1 = vector.load %arg1[%get3A, %get3A_0] : memref<512x4096xf32, #tpu.memory_space<vmem>>, vector<512x4096xf32>
    %get3A_2 = arith.constant 0 : index
    %get3A_3 = arith.constant 0 : index
    %get3A_4 = vector.load %arg2[%get3A_2, %get3A_3] : memref<16x4096xf32, #tpu.memory_space<vmem>>, vector<16x4096xf32>
    %dot_general3A = arith.constant dense<0.000000e+00> : vector<16x512xf32>
    %dot_general3A_5 = tpu.matmul %get3A_4, %get3A_1, %dot_general3A {dimension_numbers = #tpu.dot_dimension_numbers<[1], [1], [0], [0], [0, 0, 1, 0], [], []>, transpose_lhs_hint = false} : vector<16x4096xf32>, vector<512x4096xf32>, vector<16x512xf32> -> vector<16x512xf32>
    %swap3A = arith.constant 0 : index
    %swap3A_6 = arith.constant 0 : index
    %swap3A_7 = vector.load %arg3[%swap3A, %swap3A_6] : memref<16x512xf32, #tpu.memory_space<vmem>>, vector<16x512xf32>
    tpu.vector_store %arg3[%swap3A, %swap3A_6], %dot_general3A_5 {strides = array<i32>} : memref<16x512xf32, #tpu.memory_space<vmem>>, vector<16x512xf32>,
    return
  }
  func.func @transform_0(%arg0: i32) -> (i32, i32) {
    %c0_i32 = arith.constant 0 : i32
    %c0_i32_0 = arith.constant 0 : i32
    return %arg0, %c0_i32 : i32, i32
  }
  func.func @transform_1(%arg0: i32) -> (i32, i32) {
    %c0_i32 = arith.constant 0 : i32
    %c0_i32_0 = arith.constant 0 : i32
    %c0_i32_1 = arith.constant 0 : i32
    return %c0_i32, %c0_i32_0 : i32, i32
  }
  func.func @transform_2(%arg0: i32) -> (i32, i32) {
    %c0_i32 = arith.constant 0 : i32
    %c0_i32_0 = arith.constant 0 : i32
    return %c0_i32, %arg0 : i32, i32
  }
}

</mosaic_0001>

<sc_bundles>
// kernel: kernel.5.cloned.1.call-start
scs
__scs_entry_jumppad:
0x0: {  	(pc) =	sbr.rel $0x88, $3  }
0x1: {  	(tag) =	ssettag $0x0;
	lr =	simm.s32 $0x1  }
0x2: {  	[smem:$0x3F9F] =	sst lr;
	_ =	strace $0xD0000000  }
0x3: {  	_ = 	snop  }
0x4: {  	_ = 	snop  }
0x5: {  	_ = 	snop  }
0x6: {  	_ = 	snop  }
0x7: {  	_ = 	snop  }
__scs_overlays_trampoline_lowered:
0x8: {  	[smem:$0x3FAE] =	sst s0  }
0x9: {  	[smem:$0x3FAF] =	sst s1  }
0xa: {  	[smem:$0x3FB0] =	sst s2  }
0xb: {  	[smem:$0x3FB1] =	sst s3  }
0xc: {  	[smem:$0x3FB2] =	sst s4  }
0xd: {  	[smem:$0x3FB3] =	sst s5  }
0xe: {  	[smem:$0x3FB4] =	sst s6  }
0xf: {  	[smem:$0x3FB5] =	sst s7  }
0x10: {  	[smem:$0x3FB6] =	sst s8  }
0x11: {  	[smem:$0x3FB7] =	sst s9;
	s0 =	simm.s32 @!p0 $0x0  }
0x12: {  	s1 =	sld [smem:$0x3F9D];
	s0 =	simm.s32 @p0 $0x1  }
0x13: {  	[smem:$0x3FB8] =	sst s0;
	s0 =	simm.s32 @!p1 $0x0  }
0x14: {  	s2 =	sld [smem:$0x3F9C];
	s0 =	simm.s32 @p1 $0x1  }
0x15: {  	[smem:$0x3FB9] =	sst s0;
	s0 =	simm.s32 @!p2 $0x0  }
0x16: {  	s3 =	sld [smem:$0x3FDB];
	s0 =	simm.s32 @p2 $0x1  }
0x17: {  	s4 =	simm.s32 $0x1BF5;
	[smem:$0x3FBB] =	sst s0  }
0x18: {  	s0 =	sld [smem:$0x3F9E];
	_ =	swait.ge [sflag:s4], $0x0  }
0x19: {  	s7 =	sld [smem:$0x3F9F]  }
0x1a: {  	s8 =	sadd.s32 $0xFFFFE003, lr  }
0x1b: {  	s9 =	sadd.s32 $0xFFFFFEF7, lr;
	s5 =	simm.s32 $0xFFFFFFFF;
	p2 =	slt.u32 s8, $0xFFFFF086  }
0x1c: {  	p1 =	slt.u32 s9, $0xF7A;
	s5 =	simm.s32 @!p2 $0x0  }
0x1d: {  	s5 =	simm.s32 @p1 $0x1;
	p0 =	seq.s32 s7, s2  }
0x1e: {  	s7 =	smul.u32 @!p0 $0xF7A, s2;
	p2 =	seq.s32 @!p0 s5, $0x0  }
0x1f: {  	s9 =	smul.u32 $0xF7A, s1;
	s8 =	simm.s32 @!p0 $0x1BF5;
	p2 =	por !p2, p0  }
0x20: {  	[sflag:s8] =	ssyncset.s32 @!p0 $0xFFFFF086;
	s6 =	sadd.s32 @!p0 s3, s7;
	s7 =	simm.s32 @!p0 $0x108  }
0x21: {  	s3 =	sadd.s32 s3, s9;
	s6 =	sadd.s32 @!p0 $0x88, s6;
	s7 =	simm.s32 @p2 $0x1082  }
0x22: {  	[simem:s7], [sflag:s8] =	dma.local @!p0 [hbm:s6], $0xF7A  }
0x23: {  	s9 =	sor.u32 $0xD0000000, s2;
	s6 =	simm.s32 $0x108;
	_ =	swait.ge @!p0 [sflag:s8], $0x0  }
0x24: {  	s3 =	sadd.s32 $0x88, s3;
	s6 =	simm.s32 @!p1 $0x1082;
	[sflag:s4] =	ssyncset.s32 $0xFFFFF086  }
0x25: {  	[simem:s6], [sflag:s4] =	dma.local [hbm:s3], $0xF7A  }
0x26: {  	[smem:$0x3F9F] =	sst s1;
	(tag) =	ssettag s2;
	_ =	strace s9  }
0x27: {  	s1 =	sld [smem:$0x3FAF]  }
0x28: {  	s2 =	sld [smem:$0x3FB0]  }
0x29: {  	s4 =	sld [smem:$0x3FB2]  }
0x2a: {  	p0 =	seq.s32 s5, $0x0;
	s5 =	sld [smem:$0x3FB3]  }
0x2b: {  	s6 =	sld [smem:$0x3FB4]  }
0x2c: {  	s7 =	sld [smem:$0x3FB5]  }
0x2d: {  	s3 =	simm.s32 $0x108;
	s8 =	sld [smem:$0x3FB6]  }
0x2e: {  	s3 =	simm.s32 @!p0 $0x1082;
	s9 =	sld [smem:$0x3FB7]  }
0x2f: {  	lr =	sadd.s32 s0, s3;
	s0 =	sld [smem:$0x3FAE]  }
0x30: {  	s3 =	sld [smem:$0x3FB1]  }
0x31: {  	[smem:$0x3FBA] =	sst s10  }
0x32: {  	s10 =	sld [smem:$0x3FB8];
	_ =	sdelay $0x3  }
0x33: {  	p0 =	seq.s32 s10, $0x1;
	s10 =	sld [smem:$0x3FBA];
	_ =	sdelay $0x3  }
0x34: {  	[smem:$0x3FBA] =	sst s10  }
0x35: {  	s10 =	sld [smem:$0x3FB9];
	_ =	sdelay $0x3  }
0x36: {  	p1 =	seq.s32 s10, $0x1;
	s10 =	sld [smem:$0x3FBA];
	_ =	sdelay $0x3  }
0x37: {  	[smem:$0x3FBA] =	sst s10  }
0x38: {  	s10 =	sld [smem:$0x3FBB]  }
0x39: {  	_ = 	snop;
	(pc) =	sbr.ind lr, $3  }
0x3a: {  	_ = 	snop  }
0x3b: {  	_ = 	snop  }
0x3c: {  	p2 =	seq.s32 s10, $0x1;
	s10 =	sld [smem:$0x3FBA]  }
0x3d: {  	_ =	shalt  }
0x3e: {  	_ =	shalt  }
0x3f: {  	_ =	shalt  }
0x40: {  	_ =	shalt  }
0x41: {  	_ =	shalt  }
0x42: {  	_ =	shalt  }
0x43: {  	_ =	shalt  }
0x44: {  	_ =	shalt  }
0x45: {  	_ =	shalt  }
0x46: {  	_ =	shalt  }
0x47: {  	_ =	shalt  }
0x48: {  	_ =	shalt  }
0x49: {  	_ =	shalt  }
0x4a: {  	_ =	shalt  }
0x4b: {  	_ =	shalt  }
0x4c: {  	_ =	shalt  }
0x4d: {  	_ =	shalt  }
0x4e: {  	_ =	shalt  }
0x4f: {  	_ =	shalt  }
0x50: {  	_ =	shalt  }
0x51: {  	_ =	shalt  }
0x52: {  	_ =	shalt  }
0x53: {  	_ =	shalt  }
0x54: {  	_ =	shalt  }
0x55: {  	_ =	shalt  }
0x56: {  	_ =	shalt  }
0x57: {  	_ =	shalt  }
0x58: {  	_ =	shalt  }
0x59: {  	_ =	shalt  }
0x5a: {  	_ =	shalt  }
0x5b: {  	_ =	shalt  }
0x5c: {  	_ =	shalt  }
0x5d: {  	_ =	shalt  }
0x5e: {  	_ =	shalt  }
0x5f: {  	_ =	shalt  }
0x60: {  	_ =	shalt  }
0x61: {  	_ =	shalt  }
0x62: {  	_ =	shalt  }
0x63: {  	_ =	shalt  }
0x64: {  	_ =	shalt  }
0x65: {  	_ =	shalt  }
0x66: {  	_ =	shalt  }
0x67: {  	_ =	shalt  }
0x68: {  	_ =	shalt  }
0x69: {  	_ =	shalt  }
0x6a: {  	_ =	shalt  }
0x6b: {  	_ =	shalt  }
0x6c: {  	_ =	shalt  }
0x6d: {  	_ =	shalt  }
0x6e: {  	_ =	shalt  }
0x6f: {  	_ =	shalt  }
0x70: {  	_ =	shalt  }
0x71: {  	_ =	shalt  }
0x72: {  	_ =	shalt  }
0x73: {  	_ =	shalt  }
0x74: {  	_ =	shalt  }
0x75: {  	_ =	shalt  }
0x76: {  	_ =	shalt  }
0x77: {  	_ =	shalt  }
0x78: {  	_ =	shalt  }
0x79: {  	_ =	shalt  }
0x7a: {  	_ =	shalt  }
0x7b: {  	_ =	shalt  }
0x7c: {  	_ =	shalt  }
0x7d: {  	_ =	shalt  }
0x7e: {  	_ =	shalt  }
0x7f: {  	_ =	shalt  }
0x80: {  	_ =	shalt  }
0x81: {  	_ =	shalt  }
0x82: {  	_ =	shalt  }
0x83: {  	_ =	shalt  }
0x84: {  	_ =	shalt  }
0x85: {  	_ =	shalt  }
0x86: {  	_ =	shalt  }
0x87: {  	_ =	shalt  }
.Lfunc_end0:
.L_simem_size_0:
called_computation_lowered:
.L_overlay_start_0:
0x88: {  	s2 =	sld [smem:$0x3FD9]  }
0x89: {  	s3 =	sld [smem:$0x3FFE];
	_ =	sdelay $0x1  }
0x8a: {  	s1 =	srdreg.scid  }
0x8b: {  	s0 =	sand.u32 $0x1, s1  }
0x8c: {  	s16 =	sshll.u32 s0, $0xA;
	s2 =	sadd.s32 s3, s2  }
0x8d: {  	s2 =	sadd.s32 s2, s16  }
0x8e: {  	[smem:$0x3FC6] =	sst s2  }
0x8f: {  	_ = 	snop  }
0x90: {  	s2 =	sld [smem:$0x3FD0];
	_ =	sdelay $0x2  }
0x91: {  	s17 =	simm.s32 $0xB;
	s4 =	simm.s32 $0x10  }
0x92: {  	[smem:s4], [sflag:s17] =	dma.local [hbm:s2], $0x1  }
0x93: {  	_ =	swait.eq [sflag:s17], $0x1  }
0x94: {  	[sflag:s17] =	ssyncset.done $0x0  }
0x95: {  	[sflag:s17] =	ssyncadd.s32 $0xFFFFFFFF  }
0x96: {  	s18 =	sld [smem:$0x10];
	(tm) =	ssettm $0x1  }
0x97: {  	s19 =	sld [smem:$0x3FFB];
	_ =	sdelay $0x3  }
0x98: {  	_ =	strace s19  }
0x99: {  	s2 =	sld [smem:$0x3FFC];
	_ =	sdelay $0x3  }
0x9a: {  	_ =	strace s2  }
0x9b: {  	s2 =	sld [smem:$0x3FFD];
	_ =	sdelay $0x3  }
0x9c: {  	_ =	strace s2  }
0x9d: {  	_ =	strace $0x8FFFFFFF  }
0x9e: {  	s20 =	sld [smem:$0x3FDB];
	_ =	sdelay $0x1  }
0x9f: {  	s21 =	simm.s32 $_scs_section_size  }
0xa0: {  	s5 =	simm.s32 $_size__tile_overlayer_lowered;
	s6 =	simm.s32 $_tile_overlayer_lowered  }
0xa1: {  	s7 =	simm.s32 $0x1BFF;
	s22 =	sshll.u32 s6, $0x1;
	s4 =	sadd.s32 s21, s20  }
0xa2: {  	s23 =	simm.s32 $0x0;
	s5 =	sshll.u32 s5, $0x1;
	s6 =	sadd.s32 s22, s4  }
0xa3: {  	[timem:s23], [sflag:s7] =	dma.local [hbm:s6], s5  }
0xa4: {  	_ =	swait.ge [sflag:s7], s5  }
0xa5: {  	s5 =	ssub.s32 $0x0, s5;
	[sflag:s7] =	ssyncset.done $0x0  }
0xa6: {  	[sflag:s7] =	ssyncadd.s32 s5;
	_ =	sdelay $0x1  }
0xa7: {  	s24 =	simm.s32 $0x1B8B  }
0xa8: {  	_ =	swait.ge [sflag:s24], $0x1  }
0xa9: {  	[sflag:s24] =	ssyncset.done $0x0  }
0xaa: {  	[sflag:s24] =	ssyncadd.s32 $0xFFFFFFFF  }
0xab: {  	s5 =	sld [smem:$0x0]  }
0xac: {  	s6 =	sand.u32 $0xFFFFFFFE, s1  }
0xad: {  	p0 =	sne.s32 s1, s6  }
0xae: {  	s6 =	sshll.u32 @p0 s6, $0xE  }
0xaf: {  	s6 =	sadd.s32 @p0 $0x11B8D, s6;
	s7 =	sshll.u32 @p0 s5, $0x11  }
0xb0: {  	s6 =	sor.u32 @p0 s7, s6  }
0xb1: {  	[sflag:s6] =	ssyncadd.remote.s32 @p0 $0x1;
	_ =	sdelay $0x1  }
0xb2: {  	s6 =	simm.s32 @p0 $0x1B8D  }
0xb3: {  	_ =	swait.eq @p0 [sflag:s6], $0x1  }
0xb4: {  	[sflag:s6] =	ssyncadd.s32 @p0 $0xFFFFFFFF  }
0xb5: {  	s7 =	sshll.u32 @!p0 s1, $0xE  }
0xb6: {  	s7 =	sor.u32 @!p0 $0x4000, s7;
	s6 =	simm.s32 @!p0 $0x1B8D  }
0xb7: {  	s5 =	sshll.u32 @!p0 s5, $0x11;
	s7 =	sadd.s32 @!p0 $0x11B8D, s7;
	_ =	swait.eq @!p0 [sflag:s6], $0x1  }
0xb8: {  	s5 =	sor.u32 @!p0 s5, s7;
	[sflag:s6] =	ssyncadd.s32 @!p0 $0xFFFFFFFF  }
0xb9: {  	s25 =	simm.s32 $0x1B8E;
	[sflag:s5] =	ssyncadd.remote.s32 @!p0 $0x1  }
0xba: {  	s26 =	simm.s32 $execute0_lowered;
	[smem:$0x3FD2] =	sst s25  }
0xbb: {  	s5 =	sshll.u32 s26, $0x1;
	_ =	strace $0x80000049;
	[dreg:$0x1] =	wrdreg $0xFFFFFFFF  }
0xbc: {  	s28 =	simm.s32 $_size_execute0_lowered;
	s4 =	sadd.s32 s4, s5;
	[dreg:$0x0] =	wrdreg $0x0  }
0xbd: {  	s5 =	sshll.u32 s28, $0x1;
	[dreg:$0x2] =	wrdreg s4  }
0xbe: {  	[dreg:$0x3] =	wrdreg s5  }
0xbf: {  	[dreg:$0x4] =	wrdreg $0xC0  }
0xc0: {  	_ =	task [dreg:s23], $0x5FFFF  }
0xc1: {  	[dreg:$0x1] =	wrdreg $0xFFFFFFFF  }
0xc2: {  	[dreg:$0x0] =	wrdreg $0x60  }
0xc3: {  	[dreg:$0x2] =	wrdreg s18  }
0xc4: {  	[dreg:$0x3] =	wrdreg $0x9  }
0xc5: {  	_ =	task.clear_ibuf [dreg:s23], $0x4FFFF;
	_ =	strace $0x90000049  }
0xc6: {  	s29 =	simm.s32 $0x9;
	_ =	strace $0x8000004B  }
0xc7: {  	_ =	swait.ge [sflag:s29], $0x1  }
0xc8: {  	[sflag:s29] =	ssyncadd.s32 $0xFFFFFFFF  }
0xc9: {  	_ =	strace $0x9000004B  }
0xca: {  	_ =	sfence  }
0xcb: {  	s30 =	sld [smem:$0x0];
	_ =	sdelay $0x2  }
0xcc: {  	s31 =	sshll.u32 s1, $0xD;
	s1 =	sshrl.u32 s1, $0x2  }
0xcd: {  	s4 =	sand.u32 $0x4000, s31;
	s1 =	sadd.s32 s1, s30  }
0xce: {  	s0 =	sor.u32 s4, s0;
	s1 =	sshll.u32 s1, $0x11  }
0xcf: {  	s0 =	sor.u32 s1, s0  }
0xd0: {  	s0 =	sadd.s32 $0x8F2B, s0  }
0xd1: {  	[sflag:s0] =	ssyncadd.remote.s32 $0x1  }
0xd2: {  	_ =	sfence.sel $0xFFFF  }
0xd3: {  	[dreg:$0x0] =	wrdreg $0xFFFFFFFF;
	(pc) =	sbr.abs _section_cstart, $3  }
0xd4: {  	[dreg:$0x1] =	wrdreg $0xFFFFFFFF  }
0xd5: {  	_ =	task.clear_ibuf [dreg:s23], $0x2FFFF;
	_ =	strace $0x9FFFFFFF  }
0xd6: {  	(tm) =	ssettm $0x7FFFFFFF  }
0xd7: {  	_ =	shalt  }
tec
execute0_lowered:
.L_overlay_start_1:
0x0: {  	(tag) =	ssettag $0x1  }
0x1: {  	s3 =	rddreg [dreg:$0x0]  }
0x2: {  	s0 =	rddreg [dreg:$0x1];
	s4 =	srdreg.scid  }
0x3: {  	s2 =	simm.s32 $0x0;
	s1 =	stileid.u32;
	s4 =	sand.u32 $0x1, s4  }
0x4: {  	s6 =	sshll.u32 s1, $0x12;
	s5 =	ssub.s32 $0x2, s4;
	s4 =	sshll.u32 s4, $0x11  }
0x5: {  	s20 =	simm.s32 $0x1;
	s21 =	simm.s32 $0x0;
	s4 =	sor.u32 s4, s6  }
0x6: {  	[smem:$0x7FF] =	sst s2;
	s7 =	sshrl.u32 s5, $0x1;
	s3 =	sadd.s32 s3, s4  }
0x7: {  	_ =	strace $0x8000004A;
	s19 =	ssub.s32 s5, s7;
	s4 =	sadd.s32 $0x2000, s3  }
0x8: {  	s5 =	sadd.s32 $0x4000, s3;
	s6 =	sadd.s32 $0x6000, s3;
	s7 =	sadd.s32 $0x8000, s3  }
0x9: {  	s8 =	sadd.s32 $0xA000, s3;
	s9 =	sadd.s32 $0xC000, s3;
	s10 =	sadd.s32 $0xE000, s3  }
0xa: {  	s11 =	sadd.s32 $0x10000, s3;
	s12 =	sadd.s32 $0x12000, s3;
	s13 =	sadd.s32 $0x14000, s3  }
0xb: {  	s14 =	sadd.s32 $0x16000, s3;
	s15 =	sadd.s32 $0x18000, s3;
	s16 =	sadd.s32 $0x1A000, s3  }
0xc: {  	v0 =	vimm.f32 $0.0e+00;
	s17 =	sadd.s32 $0x1C000, s3;
	s18 =	sadd.s32 $0x1E000, s3;
	s19 =	smax.u32 s19, $0x1  }
.LBB2_1:
0xd: {  	s22 =	sand.u32 $0x70, s2;
	s23 =	sand.u32 $0x7C00, s2  }
0xe: {  	s22 =	sor.u32 s22, s23  }
0xf: {  	[tilespmem:s22+$0x80] =	vst v0  }
0x10: {  	[tilespmem:s22+$0x100] =	vst v0  }
0x11: {  	s26 =	sand.u32 $0x7, s2;
	[tilespmem:s22+$0x180] =	vst v0  }
0x12: {  	s24 =	simm.s32 $0x10;
	s25 =	simm.s32 $0x0;
	s23 =	simm.s32 $0x0;
	[tilespmem:s22+$0x200] =	vst v0  }
.LBB2_2:
0x13: {  	p0 =	sne.s32 s24, $0xFF0;
	s26 =	sshll.u32 s26, $0x4;
	[tilespmem:s22+$0x280] =	vst v0  }
0x14: {  	s26 =	sadd.s32 s26, s23;
	[tilespmem:s22+$0x300] =	vst v0  }
0x15: {  	[tilespmem:s22+$0x0] =	vst v0;
	s26 =	sor.u32 $0x380, s26  }
0x16: {  	[tilespmem:s26+$0x0] =	vst v0  }
0x17: {  	[tilespmem:s22+$0x8000] =	vst v0  }
0x18: {  	[tilespmem:s22+$0x8080] =	vst v0  }
0x19: {  	[tilespmem:s22+$0x8100] =	vst v0  }
0x1a: {  	[tilespmem:s22+$0x8180] =	vst v0  }
0x1b: {  	[tilespmem:s22+$0x8200] =	vst v0  }
0x1c: {  	s23 =	sadd.s32 $0x80, s23;
	[tilespmem:s22+$0x8280] =	vst v0  }
0x1d: {  	s28 =	sand.u32 $0x7C00, s23;
	s26 =	sand.u32 $0x70, s24;
	[tilespmem:s22+$0x8300] =	vst v0  }
.Ltmp0:
0x1e: {  	[tilespmem:s22+$0x8380] =	vst v0;
	s22 =	sor.u32 s26, s28;
	(pc) =	sbr.rel @p0 .LBB2_2-.Ltmp0, $4  }
0x1f: {  	[tilespmem:s22+$0x80] =	vst v0  }
0x20: {  	[tilespmem:s22+$0x100] =	vst v0  }
0x21: {  	s25 =	sadd.s32 $0x1, s25;
	[tilespmem:s22+$0x180] =	vst v0  }
0x22: {  	s24 =	sadd.s32 $0x10, s24;
	s26 =	sand.u32 $0x7, s25;
	[tilespmem:s22+$0x200] =	vst v0  }
0x23: {  	s24 =	sshll.u32 s26, $0x4;
	[tilespmem:s22+$0x280] =	vst v0  }
0x24: {  	[tilespmem:s22+$0x300] =	vst v0;
	s23 =	sadd.s32 s24, s23  }
0x25: {  	[tilespmem:s22+$0x0] =	vst v0;
	s23 =	sor.u32 $0x380, s23  }
0x26: {  	[tilespmem:s23+$0x0] =	vst v0  }
0x27: {  	[tilespmem:s22+$0x8000] =	vst v0  }
0x28: {  	[tilespmem:s22+$0x8080] =	vst v0  }
0x29: {  	[tilespmem:s22+$0x8100] =	vst v0  }
0x2a: {  	[tilespmem:s22+$0x8180] =	vst v0  }
0x2b: {  	[tilespmem:s22+$0x8200] =	vst v0  }
0x2c: {  	[tilespmem:s22+$0x8280] =	vst v0  }
0x2d: {  	[tilespmem:s22+$0x8300] =	vst v0  }
0x2e: {  	[tilespmem:s22+$0x8380] =	vst v0  }
0x2f: {  	[hbm4b:s3+s2] =	stream.linear.scatter [tilespmem:s2], [sflag:$0x1], $0x10000, $0x38;
	[tilespmem:$0x10000] =	vst v63  }
0x30: {  	_ = 	snop  }
0x31: {  	[hbm4b:s4+s2] =	stream.linear.scatter [tilespmem:s2], [sflag:$0x1], $0x10000, $0x38;
	[tilespmem:$0x10000] =	vst v63  }
0x32: {  	_ = 	snop  }
0x33: {  	[hbm4b:s5+s2] =	stream.linear.scatter [tilespmem:s2], [sflag:$0x1], $0x10000, $0x38;
	[tilespmem:$0x10000] =	vst v63  }
0x34: {  	_ = 	snop  }
0x35: {  	[hbm4b:s6+s2] =	stream.linear.scatter [tilespmem:s2], [sflag:$0x1], $0x10000, $0x38;
	[tilespmem:$0x10000] =	vst v63  }
0x36: {  	_ = 	snop  }
0x37: {  	[hbm4b:s7+s2] =	stream.linear.scatter [tilespmem:s2], [sflag:$0x1], $0x10000, $0x38;
	[tilespmem:$0x10000] =	vst v63  }
0x38: {  	_ = 	snop  }
0x39: {  	[hbm4b:s8+s2] =	stream.linear.scatter [tilespmem:s2], [sflag:$0x1], $0x10000, $0x38;
	[tilespmem:$0x10000] =	vst v63  }
0x3a: {  	_ = 	snop  }
0x3b: {  	[hbm4b:s9+s2] =	stream.linear.scatter [tilespmem:s2], [sflag:$0x1], $0x10000, $0x38;
	[tilespmem:$0x10000] =	vst v63  }
0x3c: {  	_ = 	snop  }
0x3d: {  	[hbm4b:s10+s2] =	stream.linear.scatter [tilespmem:s2], [sflag:$0x1], $0x10000, $0x38;
	[tilespmem:$0x10000] =	vst v63  }
0x3e: {  	_ = 	snop  }
0x3f: {  	[hbm4b:s11+s2] =	stream.linear.scatter [tilespmem:s2], [sflag:$0x1], $0x10000, $0x38;
	[tilespmem:$0x10000] =	vst v63  }
0x40: {  	_ = 	snop  }
0x41: {  	[hbm4b:s12+s2] =	stream.linear.scatter [tilespmem:s2], [sflag:$0x1], $0x10000, $0x38;
	[tilespmem:$0x10000] =	vst v63  }
0x42: {  	_ = 	snop  }
0x43: {  	[hbm4b:s13+s2] =	stream.linear.scatter [tilespmem:s2], [sflag:$0x1], $0x10000, $0x38;
	[tilespmem:$0x10000] =	vst v63  }
0x44: {  	_ = 	snop  }
0x45: {  	[hbm4b:s14+s2] =	stream.linear.scatter [tilespmem:s2], [sflag:$0x1], $0x10000, $0x38;
	[tilespmem:$0x10000] =	vst v63  }
0x46: {  	_ = 	snop  }
0x47: {  	[hbm4b:s15+s2] =	stream.linear.scatter [tilespmem:s2], [sflag:$0x1], $0x10000, $0x38;
	[tilespmem:$0x10000] =	vst v63  }
0x48: {  	_ = 	snop  }
0x49: {  	[hbm4b:s16+s2] =	stream.linear.scatter [tilespmem:s2], [sflag:$0x1], $0x10000, $0x38;
	[tilespmem:$0x10000] =	vst v63  }
0x4a: {  	_ = 	snop  }
0x4b: {  	[hbm4b:s17+s2] =	stream.linear.scatter [tilespmem:s2], [sflag:$0x1], $0x10000, $0x38;
	[tilespmem:$0x10000] =	vst v63  }
0x4c: {  	_ = 	snop  }
0x4d: {  	[hbm4b:s18+s2] =	stream.linear.scatter [tilespmem:s2], [sflag:$0x1], $0x10000, $0x38;
	[tilespmem:$0x10000] =	vst v63  }
0x4e: {  	_ =	swait.ge [sflag:s20], $0x10000  }
0x4f: {  	[sflag:s20] =	ssyncset.done $0x0  }
0x50: {  	[sflag:s20] =	ssyncadd.s32 $0xFFFF0000  }
0x51: {  	_ =	swait.ge [sflag:s20], $0x10000  }
0x52: {  	[sflag:s20] =	ssyncset.done $0x0  }
0x53: {  	[sflag:s20] =	ssyncadd.s32 $0xFFFF0000  }
0x54: {  	_ =	swait.ge [sflag:s20], $0x10000  }
0x55: {  	[sflag:s20] =	ssyncset.done $0x0  }
0x56: {  	[sflag:s20] =	ssyncadd.s32 $0xFFFF0000  }
0x57: {  	_ =	swait.ge [sflag:s20], $0x10000  }
0x58: {  	[sflag:s20] =	ssyncset.done $0x0  }
0x59: {  	[sflag:s20] =	ssyncadd.s32 $0xFFFF0000  }
0x5a: {  	_ =	swait.ge [sflag:s20], $0x10000  }
0x5b: {  	[sflag:s20] =	ssyncset.done $0x0  }
0x5c: {  	[sflag:s20] =	ssyncadd.s32 $0xFFFF0000  }
0x5d: {  	_ =	swait.ge [sflag:s20], $0x10000  }
0x5e: {  	[sflag:s20] =	ssyncset.done $0x0  }
0x5f: {  	[sflag:s20] =	ssyncadd.s32 $0xFFFF0000  }
0x60: {  	_ =	swait.ge [sflag:s20], $0x10000  }
0x61: {  	[sflag:s20] =	ssyncset.done $0x0  }
0x62: {  	[sflag:s20] =	ssyncadd.s32 $0xFFFF0000  }
0x63: {  	_ =	swait.ge [sflag:s20], $0x10000  }
0x64: {  	[sflag:s20] =	ssyncset.done $0x0  }
0x65: {  	[sflag:s20] =	ssyncadd.s32 $0xFFFF0000  }
0x66: {  	_ =	swait.ge [sflag:s20], $0x10000  }
0x67: {  	[sflag:s20] =	ssyncset.done $0x0  }
0x68: {  	[sflag:s20] =	ssyncadd.s32 $0xFFFF0000  }
0x69: {  	_ =	swait.ge [sflag:s20], $0x10000  }
0x6a: {  	[sflag:s20] =	ssyncset.done $0x0  }
0x6b: {  	[sflag:s20] =	ssyncadd.s32 $0xFFFF0000  }
0x6c: {  	_ =	swait.ge [sflag:s20], $0x10000  }
0x6d: {  	[sflag:s20] =	ssyncset.done $0x0  }
0x6e: {  	[sflag:s20] =	ssyncadd.s32 $0xFFFF0000  }
0x6f: {  	_ =	swait.ge [sflag:s20], $0x10000  }
0x70: {  	[sflag:s20] =	ssyncset.done $0x0  }
0x71: {  	[sflag:s20] =	ssyncadd.s32 $0xFFFF0000  }
0x72: {  	_ =	swait.ge [sflag:s20], $0x10000  }
0x73: {  	[sflag:s20] =	ssyncset.done $0x0  }
0x74: {  	[sflag:s20] =	ssyncadd.s32 $0xFFFF0000  }
0x75: {  	_ =	swait.ge [sflag:s20], $0x10000  }
0x76: {  	[sflag:s20] =	ssyncset.done $0x0  }
0x77: {  	s21 =	sadd.s32 $0x1, s21;
	[sflag:s20] =	ssyncadd.s32 $0xFFFF0000  }
0x78: {  	p0 =	sne.s32 s21, s19;
	_ =	swait.ge [sflag:s20], $0x10000  }
.Ltmp1:
0x79: {  	[sflag:s20] =	ssyncset.done $0x0;
	(pc) =	sbr.rel @p0 .LBB2_1-.Ltmp1, $4  }
0x7a: {  	[sflag:s20] =	ssyncadd.s32 $0xFFFF0000  }
0x7b: {  	_ =	swait.ge [sflag:s20], $0x10000  }
0x7c: {  	[sflag:s20] =	ssyncset.done $0x0  }
0x7d: {  	[sflag:s20] =	ssyncadd.s32 $0xFFFF0000  }
0x7e: {  	_ =	sfence.sel $0x180000  }
0x7f: {  	[bflag:$0x0] =	sbarrier.arrive $0xFFFF  }
0x80: {  	p0 =	sne.s32 s1, $0x0;
	_ =	strace $0x9000004A  }
0x81: {  	s0 =	sadd.s32 @!p0 $0x100000, s0;
	[bflag:$0x2] =	sbarrier.arrive $0xFFFF  }
0x82: {  	[sflag:s0] =	ssyncadd.tile.s32 @!p0 $0x1;
	_ =	shalt  }
.Lfunc_end2:
_tile_overlayer_lowered:
.L_overlay_start_2:
0x83: {  	(tag) =	ssettag $0x2  }
0x84: {  	s0 =	rddreg [dreg:$0x0];
	s2 =	stileid.u32  }
0x85: {  	s1 =	rddreg [dreg:$0x1];
	p0 =	sne.s32 s2, $0x0  }
0x86: {  	s3 =	rddreg [dreg:$0x2];
	[bflag:$0x3] =	sbarrier.arrive $0xFFFF;
	s2 =	simm.s32 @!p0 $0x1C02  }
0x87: {  	[timem:s3], [sflag:s2] =	dma.local @!p0 [hbm:s0], s1  }
0x88: {  	s0 =	simm.s32 @!p0 $0x2  }
0x89: {  	_ =	swait.ge @!p0 [sflag:s0], s1  }
0x8a: {  	s1 =	ssub.s32 @!p0 $0x0, s1;
	[sflag:s0] =	ssyncset.done @!p0 $0x0  }
0x8b: {  	[sflag:s0] =	ssyncadd.s32 @!p0 s1  }
0x8c: {  	[bflag:$0x3] =	sbarrier.arrive $0xFFFF  }
0x8d: {  	_ =	shalt  }

// kernel: kernel.8.cloned.1.call-start
scs
__scs_entry_jumppad:
0x0: {  	(pc) =	sbr.rel $0x88, $3  }
0x1: {  	(tag) =	ssettag $0x0;
	lr =	simm.s32 $0x1  }
0x2: {  	[smem:$0x3F9F] =	sst lr;
	_ =	strace $0xD0000000  }
0x3: {  	_ = 	snop  }
0x4: {  	_ = 	snop  }
0x5: {  	_ = 	snop  }
0x6: {  	_ = 	snop  }
0x7: {  	_ = 	snop  }
__scs_overlays_trampoline_lowered:
0x8: {  	[smem:$0x3FAE] =	sst s0  }
0x9: {  	[smem:$0x3FAF] =	sst s1  }
0xa: {  	[smem:$0x3FB0] =	sst s2  }
0xb: {  	[smem:$0x3FB1] =	sst s3  }
0xc: {  	[smem:$0x3FB2] =	sst s4  }
0xd: {  	[smem:$0x3FB3] =	sst s5  }
0xe: {  	[smem:$0x3FB4] =	sst s6  }
0xf: {  	[smem:$0x3FB5] =	sst s7  }
0x10: {  	[smem:$0x3FB6] =	sst s8  }
0x11: {  	[smem:$0x3FB7] =	sst s9;
	s0 =	simm.s32 @!p0 $0x0  }
0x12: {  	s1 =	sld [smem:$0x3F9D];
	s0 =	simm.s32 @p0 $0x1  }
0x13: {  	[smem:$0x3FB8] =	sst s0;
	s0 =	simm.s32 @!p1 $0x0  }
0x14: {  	s2 =	sld [smem:$0x3F9C];
	s0 =	simm.s32 @p1 $0x1  }
0x15: {  	[smem:$0x3FB9] =	sst s0;
	s0 =	simm.s32 @!p2 $0x0  }
0x16: {  	s3 =	sld [smem:$0x3FDB];
	s0 =	simm.s32 @p2 $0x1  }
0x17: {  	s4 =	simm.s32 $0x1BF5;
	[smem:$0x3FBB] =	sst s0  }
0x18: {  	s0 =	sld [smem:$0x3F9E];
	_ =	swait.ge [sflag:s4], $0x0  }
0x19: {  	s7 =	sld [smem:$0x3F9F]  }
0x1a: {  	s8 =	sadd.s32 $0xFFFFE003, lr  }
0x1b: {  	s9 =	sadd.s32 $0xFFFFFEF7, lr;
	s5 =	simm.s32 $0xFFFFFFFF;
	p2 =	slt.u32 s8, $0xFFFFF086  }
0x1c: {  	p1 =	slt.u32 s9, $0xF7A;
	s5 =	simm.s32 @!p2 $0x0  }
0x1d: {  	s5 =	simm.s32 @p1 $0x1;
	p0 =	seq.s32 s7, s2  }
0x1e: {  	s7 =	smul.u32 @!p0 $0xF7A, s2;
	p2 =	seq.s32 @!p0 s5, $0x0  }
0x1f: {  	s9 =	smul.u32 $0xF7A, s1;
	s8 =	simm.s32 @!p0 $0x1BF5;
	p2 =	por !p2, p0  }
0x20: {  	[sflag:s8] =	ssyncset.s32 @!p0 $0xFFFFF086;
	s6 =	sadd.s32 @!p0 s3, s7;
	s7 =	simm.s32 @!p0 $0x108  }
0x21: {  	s3 =	sadd.s32 s3, s9;
	s6 =	sadd.s32 @!p0 $0x88, s6;
	s7 =	simm.s32 @p2 $0x1082  }
0x22: {  	[simem:s7], [sflag:s8] =	dma.local @!p0 [hbm:s6], $0xF7A  }
0x23: {  	s9 =	sor.u32 $0xD0000000, s2;
	s6 =	simm.s32 $0x108;
	_ =	swait.ge @!p0 [sflag:s8], $0x0  }
0x24: {  	s3 =	sadd.s32 $0x88, s3;
	s6 =	simm.s32 @!p1 $0x1082;
	[sflag:s4] =	ssyncset.s32 $0xFFFFF086  }
0x25: {  	[simem:s6], [sflag:s4] =	dma.local [hbm:s3], $0xF7A  }
0x26: {  	[smem:$0x3F9F] =	sst s1;
	(tag) =	ssettag s2;
	_ =	strace s9  }
0x27: {  	s1 =	sld [smem:$0x3FAF]  }
0x28: {  	s2 =	sld [smem:$0x3FB0]  }
0x29: {  	s4 =	sld [smem:$0x3FB2]  }
0x2a: {  	p0 =	seq.s32 s5, $0x0;
	s5 =	sld [smem:$0x3FB3]  }
0x2b: {  	s6 =	sld [smem:$0x3FB4]  }
0x2c: {  	s7 =	sld [smem:$0x3FB5]  }
0x2d: {  	s3 =	simm.s32 $0x108;
	s8 =	sld [smem:$0x3FB6]  }
0x2e: {  	s3 =	simm.s32 @!p0 $0x1082;
	s9 =	sld [smem:$0x3FB7]  }
0x2f: {  	lr =	sadd.s32 s0, s3;
	s0 =	sld [smem:$0x3FAE]  }
0x30: {  	s3 =	sld [smem:$0x3FB1]  }
0x31: {  	[smem:$0x3FBA] =	sst s10  }
0x32: {  	s10 =	sld [smem:$0x3FB8];
	_ =	sdelay $0x3  }
0x33: {  	p0 =	seq.s32 s10, $0x1;
	s10 =	sld [smem:$0x3FBA];
	_ =	sdelay $0x3  }
0x34: {  	[smem:$0x3FBA] =	sst s10  }
0x35: {  	s10 =	sld [smem:$0x3FB9];
	_ =	sdelay $0x3  }
0x36: {  	p1 =	seq.s32 s10, $0x1;
	s10 =	sld [smem:$0x3FBA];
	_ =	sdelay $0x3  }
0x37: {  	[smem:$0x3FBA] =	sst s10  }
0x38: {  	s10 =	sld [smem:$0x3FBB]  }
0x39: {  	_ = 	snop;
	(pc) =	sbr.ind lr, $3  }
0x3a: {  	_ = 	snop  }
0x3b: {  	_ = 	snop  }
0x3c: {  	p2 =	seq.s32 s10, $0x1;
	s10 =	sld [smem:$0x3FBA]  }
0x3d: {  	_ =	shalt  }
0x3e: {  	_ =	shalt  }
0x3f: {  	_ =	shalt  }
0x40: {  	_ =	shalt  }
0x41: {  	_ =	shalt  }
0x42: {  	_ =	shalt  }
0x43: {  	_ =	shalt  }
0x44: {  	_ =	shalt  }
0x45: {  	_ =	shalt  }
0x46: {  	_ =	shalt  }
0x47: {  	_ =	shalt  }
0x48: {  	_ =	shalt  }
0x49: {  	_ =	shalt  }
0x4a: {  	_ =	shalt  }
0x4b: {  	_ =	shalt  }
0x4c: {  	_ =	shalt  }
0x4d: {  	_ =	shalt  }
0x4e: {  	_ =	shalt  }
0x4f: {  	_ =	shalt  }
0x50: {  	_ =	shalt  }
0x51: {  	_ =	shalt  }
0x52: {  	_ =	shalt  }
0x53: {  	_ =	shalt  }
0x54: {  	_ =	shalt  }
0x55: {  	_ =	shalt  }
0x56: {  	_ =	shalt  }
0x57: {  	_ =	shalt  }
0x58: {  	_ =	shalt  }
0x59: {  	_ =	shalt  }
0x5a: {  	_ =	shalt  }
0x5b: {  	_ =	shalt  }
0x5c: {  	_ =	shalt  }
0x5d: {  	_ =	shalt  }
0x5e: {  	_ =	shalt  }
0x5f: {  	_ =	shalt  }
0x60: {  	_ =	shalt  }
0x61: {  	_ =	shalt  }
0x62: {  	_ =	shalt  }
0x63: {  	_ =	shalt  }
0x64: {  	_ =	shalt  }
0x65: {  	_ =	shalt  }
0x66: {  	_ =	shalt  }
0x67: {  	_ =	shalt  }
0x68: {  	_ =	shalt  }
0x69: {  	_ =	shalt  }
0x6a: {  	_ =	shalt  }
0x6b: {  	_ =	shalt  }
0x6c: {  	_ =	shalt  }
0x6d: {  	_ =	shalt  }
0x6e: {  	_ =	shalt  }
0x6f: {  	_ =	shalt  }
0x70: {  	_ =	shalt  }
0x71: {  	_ =	shalt  }
0x72: {  	_ =	shalt  }
0x73: {  	_ =	shalt  }
0x74: {  	_ =	shalt  }
0x75: {  	_ =	shalt  }
0x76: {  	_ =	shalt  }
0x77: {  	_ =	shalt  }
0x78: {  	_ =	shalt  }
0x79: {  	_ =	shalt  }
0x7a: {  	_ =	shalt  }
0x7b: {  	_ =	shalt  }
0x7c: {  	_ =	shalt  }
0x7d: {  	_ =	shalt  }
0x7e: {  	_ =	shalt  }
0x7f: {  	_ =	shalt  }
0x80: {  	_ =	shalt  }
0x81: {  	_ =	shalt  }
0x82: {  	_ =	shalt  }
0x83: {  	_ =	shalt  }
0x84: {  	_ =	shalt  }
0x85: {  	_ =	shalt  }
0x86: {  	_ =	shalt  }
0x87: {  	_ =	shalt  }
.Lfunc_end0:
.L_simem_size_0:
called_computation.1_lowered:
.L_overlay_start_0:
0x88: {  	s2 =	sld [smem:$0x3FD9]  }
0x89: {  	s3 =	sld [smem:$0x3FFE];
	_ =	sdelay $0x1  }
0x8a: {  	s1 =	srdreg.scid  }
0x8b: {  	s0 =	sand.u32 $0x1, s1  }
0x8c: {  	s14 =	sshll.u32 s0, $0xA;
	s2 =	sadd.s32 s3, s2  }
0x8d: {  	s2 =	sadd.s32 s2, s14  }
0x8e: {  	[smem:$0x3FC6] =	sst s2  }
0x8f: {  	_ = 	snop  }
0x90: {  	s2 =	sld [smem:$0x3FD0];
	_ =	sdelay $0x2  }
0x91: {  	s15 =	simm.s32 $0xB;
	s4 =	simm.s32 $0x10  }
0x92: {  	[smem:s4], [sflag:s15] =	dma.local [hbm:s2], $0x1  }
0x93: {  	_ =	swait.eq [sflag:s15], $0x1  }
0x94: {  	[sflag:s15] =	ssyncset.done $0x0  }
0x95: {  	[sflag:s15] =	ssyncadd.s32 $0xFFFFFFFF  }
0x96: {  	s16 =	sld [smem:$0x11];
	(tm) =	ssettm $0x1  }
0x97: {  	s17 =	sld [smem:$0x3FFB];
	_ =	sdelay $0x3  }
0x98: {  	_ =	strace s17  }
0x99: {  	s3 =	sld [smem:$0x3FFC];
	_ =	sdelay $0x3  }
0x9a: {  	_ =	strace s3  }
0x9b: {  	s3 =	sld [smem:$0x3FFD];
	_ =	sdelay $0x3  }
0x9c: {  	_ =	strace s3  }
0x9d: {  	_ =	strace $0x8FFFFFFF  }
0x9e: {  	s18 =	sld [smem:$0x3FDB];
	_ =	sdelay $0x1  }
0x9f: {  	s19 =	simm.s32 $_scs_section_size  }
0xa0: {  	s5 =	simm.s32 $_size__tile_overlayer_lowered;
	s6 =	simm.s32 $_tile_overlayer_lowered  }
0xa1: {  	s22 =	simm.s32 $0x1BFF;
	s21 =	sshll.u32 s6, $0x1;
	s3 =	sadd.s32 s19, s18  }
0xa2: {  	s7 =	simm.s32 $0x0;
	s20 =	sshll.u32 s5, $0x1;
	s5 =	sadd.s32 s21, s3  }
0xa3: {  	[timem:s7], [sflag:s22] =	dma.local [hbm:s5], s20  }
0xa4: {  	_ =	swait.ge [sflag:s22], s20  }
0xa5: {  	s4 =	ssub.s32 $0x0, s20;
	[sflag:s22] =	ssyncset.done $0x0  }
0xa6: {  	[sflag:s22] =	ssyncadd.s32 s4;
	_ =	sdelay $0x1  }
0xa7: {  	s23 =	simm.s32 $0x1B8B  }
0xa8: {  	_ =	swait.ge [sflag:s23], $0x1  }
0xa9: {  	[sflag:s23] =	ssyncset.done $0x0  }
0xaa: {  	s25 =	simm.s32 $0x1B8E;
	s24 =	sld [smem:$0x3FFE];
	[sflag:s23] =	ssyncadd.s32 $0xFFFFFFFF  }
0xab: {  	s26 =	simm.s32 $execute0_lowered;
	[smem:$0x3FD2] =	sst s25  }
0xac: {  	s5 =	sshll.u32 s26, $0x1;
	_ =	strace $0x80000046;
	[dreg:$0x1] =	wrdreg $0xFFFFFFFF  }
0xad: {  	s28 =	simm.s32 $_size_execute0_lowered;
	s3 =	sadd.s32 s3, s5;
	[dreg:$0x0] =	wrdreg $0x0  }
0xae: {  	s5 =	sshll.u32 s28, $0x1;
	[dreg:$0x2] =	wrdreg s3  }
0xaf: {  	[dreg:$0x3] =	wrdreg s5  }
0xb0: {  	[dreg:$0x4] =	wrdreg $0xC0  }
0xb1: {  	_ =	task [dreg:s7], $0x5FFFF  }
0xb2: {  	[dreg:$0x1] =	wrdreg $0xFFFFFFFF  }
0xb3: {  	[dreg:$0x0] =	wrdreg $0x60  }
0xb4: {  	[dreg:$0x2] =	wrdreg s24  }
0xb5: {  	[dreg:$0x3] =	wrdreg s16  }
0xb6: {  	[dreg:$0x4] =	wrdreg $0xA  }
0xb7: {  	_ =	task.clear_ibuf [dreg:s7], $0x5FFFF;
	_ =	strace $0x90000046  }
0xb8: {  	s29 =	simm.s32 $0xA;
	_ =	strace $0x80000048  }
0xb9: {  	_ =	swait.ge [sflag:s29], $0x1  }
0xba: {  	[sflag:s29] =	ssyncadd.s32 $0xFFFFFFFF  }
0xbb: {  	_ =	strace $0x90000048  }
0xbc: {  	_ =	sfence  }
0xbd: {  	s30 =	sld [smem:$0x0];
	_ =	sdelay $0x2  }
0xbe: {  	s31 =	sshll.u32 s1, $0xD;
	s1 =	sshrl.u32 s1, $0x2  }
0xbf: {  	s3 =	sand.u32 $0x4000, s31;
	s1 =	sadd.s32 s1, s30  }
0xc0: {  	s0 =	sor.u32 s3, s0;
	s1 =	sshll.u32 s1, $0x11  }
0xc1: {  	s0 =	sor.u32 s1, s0  }
0xc2: {  	s0 =	sadd.s32 $0x8F2B, s0  }
0xc3: {  	[sflag:s0] =	ssyncadd.remote.s32 $0x1  }
0xc4: {  	_ =	sfence.sel $0xFFFF  }
0xc5: {  	[dreg:$0x0] =	wrdreg $0xFFFFFFFF;
	(pc) =	sbr.abs _section_cstart, $3  }
0xc6: {  	[dreg:$0x1] =	wrdreg $0xFFFFFFFF  }
0xc7: {  	_ =	task.clear_ibuf [dreg:s7], $0x2FFFF;
	_ =	strace $0x9FFFFFFF  }
0xc8: {  	(tm) =	ssettm $0x7FFFFFFF  }
0xc9: {  	_ =	shalt  }
tec
execute0_lowered:
.L_overlay_start_1:
0x0: {  	(tag) =	ssettag $0x1  }
0x1: {  	s3 =	rddreg [dreg:$0x0]  }
0x2: {  	s4 =	rddreg [dreg:$0x1];
	s2 =	srdreg.scid  }
0x3: {  	s0 =	rddreg [dreg:$0x2];
	s1 =	stileid.u32;
	s8 =	simm.s32 $0x1  }
0x4: {  	s9 =	simm.s32 $0x200;
	s10 =	simm.s32 $0x4000;
	s11 =	simm.s32 $0x1000  }
0x5: {  	s12 =	simm.s32 $0x0;
	s5 =	sand.u32 $0x1, s2;
	s2 =	simm.s32 $0x0  }
0x6: {  	s6 =	sshll.u32 s1, $0x9;
	s7 =	sshll.u32 s5, $0x8;
	[smem:$0x7FF] =	sst s2  }
0x7: {  	s5 =	ssub.s32 $0x2, s5;
	s6 =	sor.u32 s7, s6;
	_ =	strace $0x80000047  }
0x8: {  	s31 =	sshrl.u32 s5, $0x1;
	s7 =	simm.s32 $0x10000;
	s3 =	sadd.s32 s6, s3  }
0x9: {  	s5 =	ssub.s32 s5, s31;
	s6 =	sshrl.u32 s6, $0x2;
	s3 =	sadd.s32 $0xC00, s3  }
0xa: {  	v0 =	vimm.s32 $0x0;
	s4 =	sadd.s32 s4, s6;
	s5 =	smax.u32 s5, $0x1;
	s6 =	simm.s32 $0x800  }
.LBB2_1:
0xb: {  	[tilespmem:s2], [sflag:$0x1] =	stream.strided.gather [hbm4b:s3+s6], $0x1000, s7, s6, $0x38;
	[tilespmem:$0x3000] =	vst v63  }
0xc: {  	s14 =	simm.s32 $0x0;
	_ =	swait.ge [sflag:s8], $0x1000  }
0xd: {  	s13 =	sand.u32 $0x70, s2;
	s14 =	sand.u32 $0x3FFFFC00, s14;
	[sflag:s8] =	ssyncset.done $0x0  }
0xe: {  	s14 =	sor.u32 s13, s14;
	[sflag:s8] =	ssyncadd.s32 $0xFFFFF000  }
0xf: {  	v3 =	vld [tilespmem:s14+$0x0]  }
0x10: {  	v4 =	vld [tilespmem:s14+$0x80];
	_ =	sdelay $0x1  }
0x11: {  	v5 =	vld [tilespmem:s14+$0x100];
	_ =	sdelay $0x1  }
0x12: {  	v6 =	vld [tilespmem:s14+$0x180]  }
0x13: {  	vm0 =	vgt.f32 v4, v3  }
0x14: {  	v7 =	vld [tilespmem:s14+$0x200];
	v1 =	vsel vm0, v4, v3  }
0x15: {  	vm1 =	vgt.f32 v5, v1  }
0x16: {  	v8 =	vld [tilespmem:s14+$0x280];
	v1 =	vsel vm1, v5, v1  }
0x17: {  	vm2 =	vgt.f32 v6, v1  }
0x18: {  	v9 =	vld [tilespmem:s14+$0x300];
	v1 =	vsel vm2, v6, v1  }
0x19: {  	vm3 =	vgt.f32 v7, v1  }
0x1a: {  	v10 =	vld [tilespmem:s14+$0x380];
	v1 =	vsel vm3, v7, v1  }
0x1b: {  	vm4 =	vgt.f32 v8, v1  }
0x1c: {  	v11 =	vld [tilespmem:s14+$0x800];
	v1 =	vsel vm4, v8, v1  }
0x1d: {  	vm5 =	vgt.f32 v9, v1  }
0x1e: {  	v12 =	vld [tilespmem:s14+$0x880];
	v1 =	vsel vm5, v9, v1  }
0x1f: {  	vm6 =	vgt.f32 v10, v1  }
0x20: {  	v13 =	vld [tilespmem:s14+$0x900];
	v1 =	vsel vm6, v10, v1  }
0x21: {  	vm7 =	vgt.f32 v11, v1  }
0x22: {  	v14 =	vld [tilespmem:s14+$0x980];
	v2 =	vsel vm0, $0x1, v0;
	v1 =	vsel vm7, v11, v1  }
0x23: {  	v2 =	vsel vm1, $0x2, v2;
	vm0 =	vgt.f32 v12, v1  }
0x24: {  	v15 =	vld [tilespmem:s14+$0xA00];
	v2 =	vsel vm2, $0x3, v2;
	v1 =	vsel vm0, v12, v1  }
0x25: {  	v2 =	vsel vm3, $0x4, v2;
	vm1 =	vgt.f32 v13, v1  }
0x26: {  	v16 =	vld [tilespmem:s14+$0xA80];
	v2 =	vsel vm4, $0x5, v2;
	v1 =	vsel vm1, v13, v1  }
0x27: {  	v2 =	vsel vm5, $0x6, v2;
	vm2 =	vgt.f32 v14, v1  }
0x28: {  	v2 =	vsel vm6, $0x7, v2;
	v17 =	vsel vm2, v14, v1;
	v1 =	vld [tilespmem:s14+$0xB00]  }
0x29: {  	v2 =	vsel vm7, $0x8, v2;
	vm3 =	vgt.f32 v15, v17  }
0x2a: {  	v18 =	vsel vm0, $0x9, v2;
	v2 =	vld [tilespmem:s14+$0xB80];
	v17 =	vsel vm3, v15, v17  }
0x2b: {  	v18 =	vsel vm1, $0xA, v18;
	vm0 =	vgt.f32 v16, v17  }
0x2c: {  	v18 =	vsel vm2, $0xB, v18;
	v17 =	vsel vm0, v16, v17  }
0x2d: {  	v18 =	vsel vm3, $0xC, v18;
	vm1 =	vgt.f32 v1, v17  }
0x2e: {  	v18 =	vsel vm0, $0xD, v18;
	v17 =	vsel vm1, v1, v17  }
0x2f: {  	v18 =	vsel vm1, $0xE, v18;
	vm0 =	vgt.f32 v2, v17  }
0x30: {  	vm2 =	vgt.f32 v3, $-Inf;
	vm1 =	vlt.f32 v3, $-Inf;
	v17 =	vsel vm0, $0xF, v18  }
0x31: {  	vm0 =	vmor vm2, vm1;
	vm1 =	vne.s32 v17, $0x0  }
0x32: {  	vm0 =	vmand vm0, vm1  }
0x33: {  	v3 =	vnsel vm0, $0xFF800000, v3  }
0x34: {  	vm0 =	vne.s32 v17, $0x1;
	vm1 =	vgt.f32 v4, v3  }
0x35: {  	vm6 =	vmand vm0, vm1  }
0x36: {  	v3 =	vsel vm6, v4, v3  }
0x37: {  	vm0 =	vne.s32 v17, $0x2;
	vm1 =	vgt.f32 v5, v3  }
0x38: {  	vm7 =	vmand vm0, vm1  }
0x39: {  	v3 =	vsel vm7, v5, v3  }
0x3a: {  	vm0 =	vne.s32 v17, $0x3;
	vm1 =	vgt.f32 v6, v3  }
0x3b: {  	vm2 =	vmand vm0, vm1  }
0x3c: {  	v3 =	vsel vm2, v6, v3  }
0x3d: {  	vm0 =	vne.s32 v17, $0x4;
	vm1 =	vgt.f32 v7, v3  }
0x3e: {  	vm5 =	vmand vm0, vm1  }
0x3f: {  	v3 =	vsel vm5, v7, v3  }
0x40: {  	vm0 =	vne.s32 v17, $0x5;
	vm1 =	vgt.f32 v8, v3  }
0x41: {  	vm3 =	vmand vm0, vm1  }
0x42: {  	v3 =	vsel vm3, v8, v3  }
0x43: {  	vm0 =	vne.s32 v17, $0x6;
	vm1 =	vgt.f32 v9, v3  }
0x44: {  	vm4 =	vmand vm0, vm1  }
0x45: {  	vm11 =	veq.s32 v17, $0x0;
	vm12 =	veq.s32 v17, $0xC;
	v3 =	vsel vm4, v9, v3  }
0x46: {  	vm8 =	vne.s32 v17, $0x7;
	vm13 =	veq.s32 v17, $0x6;
	vm9 =	vgt.f32 v10, v3  }
0x47: {  	vm14 =	veq.s32 v17, $0x7;
	vm10 =	vne.s32 v17, $0x8;
	vm9 =	vmand vm8, vm9  }
0x48: {  	v48 =	vsel vm11, $0x1, v0;
	v49 =	vsel vm13, $0x1, v0;
	v3 =	vsel vm9, v10, v3  }
0x49: {  	v50 =	vsel vm14, $0x1, v0;
	vm11 =	vne.s32 v17, $0x9;
	vm15 =	vgt.f32 v11, v3  }
0x4a: {  	vm14 =	veq.s32 v17, $0x9;
	v57 =	vsel vm12, $0x1, v0;
	vm10 =	vmand vm10, vm15  }
0x4b: {  	vm12 =	veq.s32 v17, $0x3;
	v53 =	vsel vm14, $0x1, v0;
	v3 =	vsel vm10, v11, v3  }
0x4c: {  	vm14 =	vne.s32 v17, $0xA;
	v61 =	vsel vm12, $0x1, v0;
	vm13 =	vgt.f32 v12, v3  }
0x4d: {  	v55 =	vsel vm6, $0x1, v0;
	vm6 =	vne.s32 v17, $0xB;
	vm11 =	vmand vm11, vm13  }
0x4e: {  	v56 =	vsel vm7, $0x2, v55;
	vm15 =	veq.s32 v17, $0xE;
	v3 =	vsel vm11, v12, v3  }
0x4f: {  	s31 =	simm.s32 $0x0;
	v5 =	vsel vm2, $0x3, v56;
	v52 =	vsel vm15, $0x1, v0;
	vm15 =	vgt.f32 v13, v3  }
0x50: {  	s14 =	sand.u32 $0x3FFFFF00, s31;
	vm2 =	vne.s32 v17, $0xC;
	v5 =	vsel vm5, $0x4, v5;
	vm14 =	vmand vm14, vm15  }
0x51: {  	s14 =	sor.u32 s13, s14;
	v58 =	vsel vm3, $0x5, v5;
	vm3 =	vne.s32 v17, $0xD;
	v3 =	vsel vm14, v13, v3  }
0x52: {  	[tilespmem:s14+$0x1000] =	vst v48;
	vm1 =	veq.s32 v17, $0x2;
	vm0 =	veq.s32 v17, $0x8;
	vm7 =	vgt.f32 v14, v3  }
0x53: {  	[tilespmem:s14+$0x1E00] =	vst v50;
	v47 =	vsel vm1, $0x1, v0;
	vm1 =	veq.s32 v17, $0xF;
	vm7 =	vmand vm6, vm7  }
0x54: {  	[tilespmem:s14+$0x1C00] =	vst v49;
	v4 =	vsel vm4, $0x6, v58;
	vm8 =	veq.s32 v17, $0x5;
	v3 =	vsel vm7, v14, v3  }
0x55: {  	[tilespmem:s14+$0x2800] =	vst v57;
	v4 =	vsel vm9, $0x7, v4;
	v60 =	vsel vm8, $0x1, v0;
	vm5 =	vgt.f32 v15, v3  }
0x56: {  	[tilespmem:s14+$0x2200] =	vst v53;
	v4 =	vsel vm10, $0x8, v4;
	vm13 =	veq.s32 v17, $0xB;
	vm2 =	vmand vm2, vm5  }
0x57: {  	[tilespmem:s14+$0x1600] =	vst v61;
	v51 =	vsel vm13, $0x1, v0;
	vm13 =	veq.s32 v17, $0xA;
	v3 =	vsel vm2, v15, v3  }
0x58: {  	[tilespmem:s14+$0x1400] =	vst v47;
	v4 =	vsel vm11, $0x9, v4;
	vm15 =	veq.s32 v17, $0xD;
	vm9 =	vgt.f32 v16, v3  }
0x59: {  	[tilespmem:s14+$0x1A00] =	vst v60;
	v62 =	vsel vm13, $0x1, v0;
	v54 =	vsel vm15, $0x1, v0;
	vm3 =	vmand vm3, vm9  }
0x5a: {  	[tilespmem:s14+$0x2C00] =	vst v52;
	vm15 =	veq.s32 v17, $0x1;
	v4 =	vsel vm14, $0xA, v4;
	v3 =	vsel vm3, v16, v3  }
0x5b: {  	[tilespmem:s14+$0x2600] =	vst v51;
	vm14 =	vne.s32 v17, $0xE;
	v59 =	vsel vm15, $0x1, v0;
	vm15 =	vgt.f32 v1, v3  }
0x5c: {  	[tilespmem:s14+$0x2400] =	vst v62;
	vm6 =	veq.s32 v17, $0x4;
	v4 =	vsel vm7, $0xB, v4;
	vm4 =	vmand vm14, vm15  }
0x5d: {  	[tilespmem:s14+$0x2A00] =	vst v54;
	v63 =	vsel vm6, $0x1, v0;
	v4 =	vsel vm2, $0xC, v4;
	v1 =	vsel vm4, v1, v3  }
0x5e: {  	[tilespmem:s14+$0x1200] =	vst v59;
	vm2 =	vne.s32 v17, $0xF;
	v3 =	vsel vm3, $0xD, v4;
	vm3 =	vgt.f32 v2, v1  }
0x5f: {  	[tilespmem:s14+$0x1800] =	vst v63;
	v1 =	vsel vm1, $0x1, v0;
	v2 =	vsel vm4, $0xE, v3;
	vm1 =	vmand vm2, vm3  }
0x60: {  	v3 =	vsel vm0, $0x1, v0;
	[tilespmem:s14+$0x2E00] =	vst v1;
	v1 =	vsel vm1, $0xF, v2  }
0x61: {  	s15 =	simm.s32 $0x0;
	s13 =	simm.s32 $0x1;
	[tilespmem:s14+$0x2000] =	vst v3;
	vm1 =	veq.s32 v1, $0x0;
	vm2 =	veq.s32 v1, $0x1;
	vm0 =	veq.s32 v1, $0xF  }
.LBB2_2:
0x62: {  	p0 =	sne.s32 s13, $0xF  }
0x63: {  	v2 =	vsel vm1, $0x1, v0;
	v3 =	vsel vm2, $0x1, v0;
	vm1 =	veq.s32 v1, $0x3;
	s15 =	sadd.s32 $0x10, s15;
	s16 =	smov.u32 s13;
	s13 =	sadd.s32 $0x1, s13  }
0x64: {  	v4 =	vsel vm0, $0x1, v0;
	[tilespmem:s14+$0x1080] =	vst v2;
	v2 =	vsel vm1, $0x1, v0;
	vm1 =	veq.s32 v1, $0xE  }
0x65: {  	vm0 =	veq.s32 v1, $0x2;
	vm2 =	veq.s32 v1, $0x4;
	vm3 =	veq.s32 v1, $0xD;
	[tilespmem:s14+$0x1280] =	vst v3  }
0x66: {  	v3 =	vsel vm0, $0x1, v0;
	vm0 =	veq.s32 v1, $0xC;
	[tilespmem:s14+$0x1680] =	vst v2;
	v2 =	vsel vm2, $0x1, v0  }
0x67: {  	vm4 =	veq.s32 v1, $0xB;
	vm2 =	veq.s32 v1, $0x5;
	[tilespmem:s14+$0x1480] =	vst v3;
	v3 =	vsel vm1, $0x1, v0  }
0x68: {  	vm1 =	veq.s32 v1, $0x6;
	[tilespmem:s14+$0x1880] =	vst v2;
	v2 =	vsel vm2, $0x1, v0;
	vm2 =	veq.s32 v1, $0x8  }
0x69: {  	v7 =	vsel vm0, $0x1, v0;
	v5 =	vsel vm1, $0x1, v0;
	v6 =	vsel vm2, $0x1, v0;
	[tilespmem:s14+$0x2E80] =	vst v4  }
0x6a: {  	vm0 =	veq.s32 v1, $0x7;
	v4 =	vsel vm4, $0x1, v0;
	[tilespmem:s14+$0x2880] =	vst v7;
	v7 =	vsel vm3, $0x1, v0  }
0x6b: {  	v8 =	vsel vm0, $0x1, v0;
	vm0 =	veq.s32 v1, $0x9;
	vm1 =	veq.s32 v1, $0xA;
	[tilespmem:s14+$0x2680] =	vst v4  }
0x6c: {  	v1 =	vsel vm0, $0x1, v0;
	v4 =	vsel vm1, $0x1, v0;
	[tilespmem:s14+$0x1E80] =	vst v8  }
0x6d: {  	[tilespmem:s14+$0x2480] =	vst v4  }
0x6e: {  	[tilespmem:s14+$0x2A80] =	vst v7  }
0x6f: {  	[tilespmem:s14+$0x2080] =	vst v6  }
0x70: {  	[tilespmem:s14+$0x2C80] =	vst v3  }
0x71: {  	s18 =	sshll.u32 s16, $0x7;
	[tilespmem:s14+$0x2280] =	vst v1  }
0x72: {  	s17 =	sand.u32 $0x70, s15;
	s18 =	sand.u32 $0x3FFFFC00, s18;
	[tilespmem:s14+$0x1C80] =	vst v5  }
0x73: {  	s18 =	sor.u32 s17, s18;
	[tilespmem:s14+$0x1A80] =	vst v2  }
0x74: {  	v16 =	vld [tilespmem:s18+$0x0]  }
0x75: {  	v17 =	vld [tilespmem:s18+$0x80];
	_ =	sdelay $0x1  }
0x76: {  	v15 =	vld [tilespmem:s18+$0x100];
	_ =	sdelay $0x1  }
0x77: {  	v14 =	vld [tilespmem:s18+$0x180];
	vm0 =	vlt.f32 v16, $-Inf;
	vm2 =	vgt.f32 v16, $-Inf  }
0x78: {  	vm1 =	vgt.f32 v17, v16;
	vm0 =	vmor vm2, vm0  }
0x79: {  	v1 =	vsel vm1, v17, v16;
	v13 =	vld [tilespmem:s18+$0x200]  }
0x7a: {  	vm2 =	vgt.f32 v15, v1  }
0x7b: {  	v1 =	vsel vm2, v15, v1;
	v12 =	vld [tilespmem:s18+$0x280]  }
0x7c: {  	vm3 =	vgt.f32 v14, v1  }
0x7d: {  	v1 =	vsel vm3, v14, v1;
	v11 =	vld [tilespmem:s18+$0x300]  }
0x7e: {  	vm4 =	vgt.f32 v13, v1  }
0x7f: {  	v1 =	vsel vm4, v13, v1;
	v9 =	vld [tilespmem:s18+$0x380]  }
0x80: {  	vm5 =	vgt.f32 v12, v1  }
0x81: {  	v1 =	vsel vm5, v12, v1;
	v8 =	vld [tilespmem:s18+$0x800]  }
0x82: {  	vm6 =	vgt.f32 v11, v1  }
0x83: {  	v1 =	vsel vm6, v11, v1;
	v7 =	vld [tilespmem:s18+$0x880]  }
0x84: {  	vm7 =	vgt.f32 v9, v1  }
0x85: {  	v1 =	vsel vm7, v9, v1;
	v6 =	vld [tilespmem:s18+$0x900]  }
0x86: {  	v2 =	vsel vm1, $0x1, v0;
	vm1 =	vgt.f32 v8, v1  }
0x87: {  	v2 =	vsel vm2, $0x2, v2;
	v1 =	vsel vm1, v8, v1;
	v5 =	vld [tilespmem:s18+$0x980]  }
0x88: {  	v2 =	vsel vm3, $0x3, v2;
	vm2 =	vgt.f32 v7, v1  }
0x89: {  	v2 =	vsel vm4, $0x4, v2;
	v1 =	vsel vm2, v7, v1;
	v4 =	vld [tilespmem:s18+$0xA00]  }
0x8a: {  	v2 =	vsel vm5, $0x5, v2;
	vm3 =	vgt.f32 v6, v1  }
0x8b: {  	v3 =	vsel vm6, $0x6, v2;
	v1 =	vsel vm3, v6, v1;
	v2 =	vld [tilespmem:s18+$0xA80]  }
0x8c: {  	v3 =	vsel vm7, $0x7, v3;
	vm4 =	vgt.f32 v5, v1  }
0x8d: {  	v3 =	vsel vm1, $0x8, v3;
	v10 =	vsel vm4, v5, v1;
	v1 =	vld [tilespmem:s18+$0xB00]  }
0x8e: {  	v3 =	vsel vm2, $0x9, v3;
	vm1 =	vgt.f32 v4, v10  }
0x8f: {  	v18 =	vsel vm3, $0xA, v3;
	v10 =	vsel vm1, v4, v10;
	v3 =	vld [tilespmem:s18+$0xB80]  }
0x90: {  	v18 =	vsel vm4, $0xB, v18;
	vm2 =	vgt.f32 v2, v10  }
0x91: {  	v18 =	vsel vm1, $0xC, v18;
	v10 =	vsel vm2, v2, v10  }
0x92: {  	v18 =	vsel vm2, $0xD, v18;
	vm1 =	vgt.f32 v1, v10  }
0x93: {  	v10 =	vsel vm1, v1, v10;
	v18 =	vsel vm1, $0xE, v18  }
0x94: {  	vm1 =	vgt.f32 v3, v10  }
0x95: {  	v10 =	vsel vm1, $0xF, v18  }
0x96: {  	s14 =	sshll.u32 s16, $0x5;
	vm1 =	vne.s32 v10, $0x0;
	vm2 =	veq.s32 v10, $0x0;
	vm5 =	veq.s32 v10, $0xC  }
0x97: {  	s14 =	sand.u32 $0x3FFFFF00, s14;
	vm4 =	veq.s32 v10, $0x8;
	vm0 =	vmand vm0, vm1;
	vm1 =	veq.s32 v10, $0x2  }
0x98: {  	s14 =	sor.u32 s17, s14;
	vm3 =	veq.s32 v10, $0x6;
	v16 =	vnsel vm0, $0xFF800000, v16;
	vm0 =	vne.s32 v10, $0x1  }
0x99: {  	vm7 =	veq.s32 v10, $0x5;
	v18 =	vsel vm1, $0x1, v0;
	vm6 =	vgt.f32 v17, v16  }
0x9a: {  	vm10 =	veq.s32 v10, $0x7;
	vm8 =	veq.s32 v10, $0xF;
	vm0 =	vmand vm0, vm6  }
0x9b: {  	vm11 =	veq.s32 v10, $0xE;
	vm1 =	vne.s32 v10, $0x2;
	v16 =	vsel vm0, v17, v16  }
0x9c: {  	vm6 =	veq.s32 v10, $0xA;
	v17 =	vsel vm2, $0x1, v0;
	vm9 =	vgt.f32 v15, v16  }
0x9d: {  	vm1 =	vmand vm1, vm9;
	[tilespmem:s14+$0x1000] =	vst v17;
	vm9 =	veq.s32 v10, $0x1;
	v17 =	vsel vm3, $0x1, v0  }
0x9e: {  	vm2 =	vne.s32 v10, $0x3;
	v15 =	vsel vm1, v15, v16;
	v16 =	vsel vm10, $0x1, v0  }
0x9f: {  	vm12 =	veq.s32 v10, $0xB;
	vm10 =	veq.s32 v10, $0x9;
	vm3 =	vgt.f32 v14, v15  }
0xa0: {  	vm13 =	veq.s32 v10, $0x4;
	v19 =	vsel vm12, $0x1, v0;
	vm2 =	vmand vm2, vm3  }
0xa1: {  	vm12 =	veq.s32 v10, $0x3;
	vm3 =	vne.s32 v10, $0x4;
	v14 =	vsel vm2, v14, v15;
	[tilespmem:s14+$0x2600] =	vst v19  }
0xa2: {  	vm15 =	veq.s32 v10, $0xD;
	v15 =	vsel vm11, $0x1, v0;
	vm14 =	vgt.f32 v13, v14;
	[tilespmem:s14+$0x1E00] =	vst v16  }
0xa3: {  	v16 =	vsel vm10, $0x1, v0;
	vm3 =	vmand vm3, vm14;
	[tilespmem:s14+$0x1C00] =	vst v17;
	v17 =	vsel vm15, $0x1, v0  }
0xa4: {  	vm10 =	vne.s32 v10, $0x5;
	v13 =	vsel vm3, v13, v14;
	[tilespmem:s14+$0x1400] =	vst v18;
	v14 =	vsel vm5, $0x1, v0  }
0xa5: {  	v19 =	vsel vm12, $0x1, v0;
	v18 =	vsel vm9, $0x1, v0;
	vm5 =	vgt.f32 v12, v13;
	[tilespmem:s14+$0x2800] =	vst v14  }
0xa6: {  	v14 =	vsel vm13, $0x1, v0;
	vm5 =	vmand vm10, vm5;
	[tilespmem:s14+$0x2A00] =	vst v17;
	v17 =	vsel vm8, $0x1, v0  }
0xa7: {  	vm8 =	vne.s32 v10, $0x6;
	v12 =	vsel vm5, v12, v13;
	v13 =	vsel vm7, $0x1, v0;
	[tilespmem:s14+$0x2C00] =	vst v15  }
0xa8: {  	vm7 =	vgt.f32 v11, v12;
	[tilespmem:s14+$0x1A00] =	vst v13;
	v13 =	vsel vm4, $0x1, v0  }
0xa9: {  	vm4 =	vmand vm8, vm7;
	[tilespmem:s14+$0x2200] =	vst v16  }
0xaa: {  	vm7 =	vne.s32 v10, $0x7;
	v11 =	vsel vm4, v11, v12;
	[tilespmem:s14+$0x1200] =	vst v18;
	v12 =	vsel vm6, $0x1, v0  }
0xab: {  	vm6 =	vgt.f32 v9, v11;
	[tilespmem:s14+$0x2400] =	vst v12  }
0xac: {  	vm6 =	vmand vm7, vm6;
	[tilespmem:s14+$0x1600] =	vst v19  }
0xad: {  	vm7 =	vne.s32 v10, $0x8;
	v9 =	vsel vm6, v9, v11;
	[tilespmem:s14+$0x1800] =	vst v14  }
0xae: {  	vm8 =	vgt.f32 v8, v9;
	[tilespmem:s14+$0x2E00] =	vst v17  }
0xaf: {  	vm7 =	vmand vm7, vm8;
	[tilespmem:s14+$0x2000] =	vst v13  }
0xb0: {  	vm8 =	vne.s32 v10, $0x9;
	v8 =	vsel vm7, v8, v9  }
0xb1: {  	vm9 =	vgt.f32 v7, v8  }
0xb2: {  	vm8 =	vmand vm8, vm9  }
0xb3: {  	vm9 =	vne.s32 v10, $0xA;
	v7 =	vsel vm8, v7, v8  }
0xb4: {  	vm10 =	vgt.f32 v6, v7  }
0xb5: {  	vm9 =	vmand vm9, vm10  }
0xb6: {  	v8 =	vsel vm0, $0x1, v0;
	vm0 =	vne.s32 v10, $0xB;
	v6 =	vsel vm9, v6, v7  }
0xb7: {  	v7 =	vsel vm1, $0x2, v8;
	vm1 =	vgt.f32 v5, v6  }
0xb8: {  	v7 =	vsel vm2, $0x3, v7;
	vm0 =	vmand vm0, vm1  }
0xb9: {  	v7 =	vsel vm3, $0x4, v7;
	vm1 =	vne.s32 v10, $0xC;
	v5 =	vsel vm0, v5, v6  }
0xba: {  	v6 =	vsel vm5, $0x5, v7;
	vm2 =	vgt.f32 v4, v5  }
0xbb: {  	v6 =	vsel vm4, $0x6, v6;
	vm1 =	vmand vm1, vm2  }
0xbc: {  	v6 =	vsel vm6, $0x7, v6;
	vm2 =	vne.s32 v10, $0xD;
	v4 =	vsel vm1, v4, v5  }
0xbd: {  	v5 =	vsel vm7, $0x8, v6;
	vm3 =	vgt.f32 v2, v4  }
0xbe: {  	v5 =	vsel vm8, $0x9, v5;
	vm2 =	vmand vm2, vm3  }
0xbf: {  	v5 =	vsel vm9, $0xA, v5;
	vm3 =	vne.s32 v10, $0xE;
	v2 =	vsel vm2, v2, v4  }
0xc0: {  	v4 =	vsel vm0, $0xB, v5;
	vm0 =	vgt.f32 v1, v2  }
0xc1: {  	v4 =	vsel vm1, $0xC, v4;
	vm0 =	vmand vm3, vm0  }
.Ltmp0:
0xc2: {  	vm1 =	vne.s32 v10, $0xF;
	v4 =	vsel vm2, $0xD, v4;
	v1 =	vsel vm0, v1, v2;
	(pc) =	sbr.rel @p0 .LBB2_2-.Ltmp0, $4  }
0xc3: {  	v2 =	vsel vm0, $0xE, v4;
	vm0 =	vgt.f32 v3, v1  }
0xc4: {  	vm0 =	vmand vm1, vm0  }
0xc5: {  	v1 =	vsel vm0, $0xF, v2  }
0xc6: {  	vm1 =	veq.s32 v1, $0x0;
	vm2 =	veq.s32 v1, $0x1;
	vm0 =	veq.s32 v1, $0xF  }
0xc7: {  	v2 =	vsel vm1, $0x1, v0;
	v3 =	vsel vm2, $0x1, v0;
	vm15 =	veq.s32 v1, $0x3  }
0xc8: {  	vm4 =	veq.s32 v1, $0x2;
	vm5 =	veq.s32 v1, $0x4;
	vm6 =	veq.s32 v1, $0xC  }
0xc9: {  	vm7 =	veq.s32 v1, $0xB;
	vm8 =	veq.s32 v1, $0x7;
	vm9 =	veq.s32 v1, $0xA;
	[tilespmem:s14+$0x1080] =	vst v2  }
0xca: {  	vm10 =	veq.s32 v1, $0xD;
	vm11 =	veq.s32 v1, $0x8;
	v2 =	vsel vm15, $0x1, v0;
	[tilespmem:s14+$0x1280] =	vst v3  }
0xcb: {  	vm12 =	veq.s32 v1, $0xE;
	vm14 =	veq.s32 v1, $0x6;
	v3 =	vsel vm4, $0x1, v0;
	[tilespmem:s14+$0x1680] =	vst v2  }
0xcc: {  	vm13 =	veq.s32 v1, $0x9;
	vm15 =	veq.s32 v1, $0x5;
	v1 =	vsel vm14, $0x1, v0;
	[tilespmem:s14+$0x1480] =	vst v3  }
0xcd: {  	v2 =	vsel vm5, $0x1, v0;
	[tilespmem:s14+$0x1C80] =	vst v1  }
0xce: {  	v3 =	vsel vm0, $0x1, v0;
	[tilespmem:s14+$0x1880] =	vst v2  }
0xcf: {  	v2 =	vsel vm6, $0x1, v0;
	[tilespmem:s14+$0x2E80] =	vst v3  }
0xd0: {  	v3 =	vsel vm7, $0x1, v0;
	[tilespmem:s14+$0x2880] =	vst v2  }
0xd1: {  	v2 =	vsel vm8, $0x1, v0;
	[tilespmem:s14+$0x2680] =	vst v3  }
0xd2: {  	v3 =	vsel vm10, $0x1, v0;
	[tilespmem:s14+$0x1E80] =	vst v2  }
0xd3: {  	v2 =	vsel vm9, $0x1, v0;
	[tilespmem:s14+$0x2A80] =	vst v3  }
0xd4: {  	v3 =	vsel vm12, $0x1, v0;
	[tilespmem:s14+$0x2480] =	vst v2  }
0xd5: {  	v2 =	vsel vm11, $0x1, v0;
	[tilespmem:s14+$0x2C80] =	vst v3  }
0xd6: {  	s12 =	sadd.s32 $0x1, s12;
	[tilespmem:s14+$0x2080] =	vst v2;
	v2 =	vsel vm13, $0x1, v0  }
0xd7: {  	p0 =	sne.s32 s12, s5;
	[tilespmem:s14+$0x2280] =	vst v2;
	v2 =	vsel vm15, $0x1, v0  }
.Ltmp1:
0xd8: {  	[tilespmem:s14+$0x1A80] =	vst v2;
	(pc) =	sbr.rel @p0 .LBB2_1-.Ltmp1, $4  }
0xd9: {  	[hbm4b:s4+s9] =	stream.strided.scatter [tilespmem:s11], [sflag:$0x1], $0x2000, s10, s9, $0x38;
	[tilespmem:$0x3000] =	vst v63  }
0xda: {  	_ =	swait.ge [sflag:s8], $0x2000  }
0xdb: {  	[sflag:s8] =	ssyncset.done $0x0  }
0xdc: {  	[sflag:s8] =	ssyncadd.s32 $0xFFFFE000  }
0xdd: {  	_ =	sfence.sel $0x180000  }
0xde: {  	[bflag:$0x0] =	sbarrier.arrive $0xFFFF  }
0xdf: {  	p0 =	sne.s32 s1, $0x0;
	_ =	strace $0x90000047  }
0xe0: {  	s0 =	sadd.s32 @!p0 $0x100000, s0;
	[bflag:$0x2] =	sbarrier.arrive $0xFFFF  }
0xe1: {  	[sflag:s0] =	ssyncadd.tile.s32 @!p0 $0x1;
	_ =	shalt  }
.Lfunc_end2:
_tile_overlayer_lowered:
.L_overlay_start_2:
0xe2: {  	(tag) =	ssettag $0x2  }
0xe3: {  	s0 =	rddreg [dreg:$0x0];
	s2 =	stileid.u32  }
0xe4: {  	s1 =	rddreg [dreg:$0x1];
	p0 =	sne.s32 s2, $0x0  }
0xe5: {  	s3 =	rddreg [dreg:$0x2];
	[bflag:$0x3] =	sbarrier.arrive $0xFFFF;
	s2 =	simm.s32 @!p0 $0x1C01  }
0xe6: {  	[timem:s3], [sflag:s2] =	dma.local @!p0 [hbm:s0], s1  }
0xe7: {  	s0 =	simm.s32 @!p0 $0x1  }
0xe8: {  	_ =	swait.ge @!p0 [sflag:s0], s1  }
0xe9: {  	s1 =	ssub.s32 @!p0 $0x0, s1;
	[sflag:s0] =	ssyncset.done @!p0 $0x0  }
0xea: {  	[sflag:s0] =	ssyncadd.s32 @!p0 s1  }
0xeb: {  	[bflag:$0x3] =	sbarrier.arrive $0xFFFF  }
0xec: {  	_ =	shalt  }

</sc_bundles>
